<compile_context>
chip_gen: v7x
topology: tpu7x:2x2x1
jax: 0.10.2.dev20260603
libtpu: 0.0.44.dev20260713+nightly
codegen_flags: <defaults>
</compile_context>

<pallas_src>
import functools

import jax
import jax.numpy as jnp
from jax import lax
from jax.experimental import pallas as pl
from jax.experimental.pallas import tpu as pltpu
from jax.experimental.pallas import tpu_sc as plsc

N_TOKEN = 100000
D_EMBED = 128
N_TOK_BATCH = 16384
LANES = 16
NUM_CORES = 2
NUM_SUBCORES = 16
NUM_WORKERS = NUM_CORES * NUM_SUBCORES
B_PER_W = N_TOK_BATCH // NUM_WORKERS
SCALE = float(D_EMBED) ** 0.5

CHUNKS = (112, 104, 104, 96, 96)
OFFS = (0, 112, 216, 320, 416)
NCHUNK = len(CHUNKS)

_mesh = plsc.VectorSubcoreMesh(core_axis_name="c", subcore_axis_name="s")


@functools.partial(
    pl.kernel,
    mesh=_mesh,
    out_type=jax.ShapeDtypeStruct((N_TOK_BATCH, D_EMBED), jnp.float32),
    scratch_types=[
        pltpu.VMEM((B_PER_W,), jnp.int32),
        pltpu.VMEM((B_PER_W, D_EMBED), jnp.float32),
        pltpu.SemaphoreType.DMA((NCHUNK,)),
        pltpu.SemaphoreType.DMA((NCHUNK,)),
    ],
)
def _gather_scale(idx_hbm, table_hbm, out_hbm, idx_v, bufs, gsem, ssem):
    wid = lax.axis_index("s") * NUM_CORES + lax.axis_index("c")
    base = wid * B_PER_W
    pltpu.sync_copy(idx_hbm.at[pl.ds(base, B_PER_W)], idx_v)

    def gather(c):
        return pltpu.make_async_copy(
            table_hbm.at[idx_v.at[pl.ds(OFFS[c], CHUNKS[c])]],
            bufs.at[pl.ds(OFFS[c], CHUNKS[c])],
            gsem.at[c],
        )

    def store(c):
        return pltpu.make_async_copy(
            bufs.at[pl.ds(OFFS[c], CHUNKS[c])],
            out_hbm.at[pl.ds(base + OFFS[c], CHUNKS[c])],
            ssem.at[c],
        )

    for c in range(NCHUNK):
        gather(c).start()

    for c in range(NCHUNK):
        gather(c).wait()

        @plsc.parallel_loop(OFFS[c], OFFS[c] + CHUNKS[c], unroll=4)
        def _scale_rows(r):
            for j in range(D_EMBED // LANES):
                s = pl.ds(j * LANES, LANES)
                bufs[r, s] = bufs[r, s] * SCALE

        store(c).start()
    for c in range(NCHUNK):
        store(c).wait()


def kernel(x, labels, emb_weight, out_weight, out_bias, cluster_weight,
           cluster_bias):
    del labels, out_weight, out_bias, cluster_weight, cluster_bias
    return _gather_scale(x.astype(jnp.int32), emb_weight)

# --- scband reference (transcript-rebuilt; emitter-appended) ---
"""Pipeline reference for scband-sample-model-82282983456909 (READ-ONLY COPY).

The authoritative reference and input builder live on the scoring server;
editing this copy changes nothing except your own understanding.
"""

import jax, jax.numpy as jnp
import numpy as np

N_TOKEN = 100000
D_EMBED = 128
D_MODEL = 128
CUTOFFS = [20000, 60000]
N_TOK_BATCH = 16384
N_CLUSTERS = len(CUTOFFS)


def setup_inputs(seed: int = 0) -> dict:
    key = jax.random.key(seed)
    ks = jax.random.split(key, 8)
    x = jax.random.randint(ks[0], (N_TOK_BATCH,), 0, N_TOKEN)
    labels = jax.random.randint(ks[1], (N_TOK_BATCH,), 0, N_TOKEN)
    emb_weight = jax.random.normal(ks[2], (N_TOKEN, D_EMBED), dtype=jnp.float32) * 0.02
    out_weight = jax.random.normal(ks[3], (N_TOKEN, D_EMBED), dtype=jnp.float32) * 0.02
    out_bias = jnp.zeros((N_TOKEN,), dtype=jnp.float32)
    cluster_weight = jax.random.normal(ks[4], (N_CLUSTERS, D_EMBED), dtype=jnp.float32) * 0.02
    cluster_bias = jnp.zeros((N_CLUSTERS,), dtype=jnp.float32)
    return {
        'x': x,
        'labels': labels,
        'emb_weight': emb_weight,
        'out_weight': out_weight,
        'out_bias': out_bias,
        'cluster_weight': cluster_weight,
        'cluster_bias': cluster_bias,
    }


def reference(x, labels, emb_weight, out_weight, out_bias, cluster_weight, cluster_bias):
    d_proj = emb_weight.shape[1]
    emb_scale = float(d_proj) ** 0.5
    # AdaptiveEmbedding forward (div_val=1, d_proj == d_embed -> no projection)
    embeddings = jnp.take(emb_weight, x, axis=0) * emb_scale
    hidden = embeddings

    # ProjectedAdaptiveLogSoftmax forward with labels (div_val=1, no out_projs)
    cutoffs = CUTOFFS + [N_TOKEN]
    cutoff_values = [0] + cutoffs
    head_weight = jnp.concatenate([out_weight[:cutoffs[0]], cluster_weight], axis=0)
    head_bias = jnp.concatenate([out_bias[:cutoffs[0]], cluster_bias], axis=0)
    head_logit = hidden @ head_weight.T + head_bias
    head_logprob = jax.nn.log_softmax(head_logit, axis=-1)

    n_tok = labels.shape[0]
    all_rows = jnp.arange(n_tok)
    out = jnp.zeros((n_tok,), dtype=hidden.dtype)
    for i in range(len(cutoff_values) - 1):
        l_idx, r_idx = cutoff_values[i], cutoff_values[i + 1]
        mask_i = (labels >= l_idx) & (labels < r_idx)
        if i == 0:
            safe_labels = jnp.clip(labels, 0, r_idx - 1)
            logprob_i = head_logprob[all_rows, safe_labels]
        else:
            w_i = out_weight[l_idx:r_idx]
            b_i = out_bias[l_idx:r_idx]
            tail_logit_i = hidden @ w_i.T + b_i
            tail_logprob_i = jax.nn.log_softmax(tail_logit_i, axis=-1)
            cluster_prob_idx = cutoffs[0] + i - 1
            target_i = jnp.clip(labels - l_idx, 0, r_idx - l_idx - 1)
            logprob_i = head_logprob[:, cluster_prob_idx] + tail_logprob_i[all_rows, target_i]
        out = jnp.where(mask_i, -logprob_i, out)
    softmax_output = out  # original prints softmax_output.shape
    return embeddings

if __name__ == "__main__":
    import jax
    _d = setup_inputs()
    print(jax.jit(kernel)(*tuple(_d.values())))

</pallas_src>

<mosaic_0001>
#map = affine_map<(d0, d1) -> (0)>
#map1 = affine_map<(d0, d1) -> (0, 0)>
module attributes {stable_mosaic.version = 14 : i64} {
  func.func @_gather_scale(%arg0: i32, %arg1: i32, %arg2: memref<16384xi32, #tpu.memory_space<hbm>>, %arg3: memref<100000x128xf32, #tpu.memory_space<hbm>>, %arg4: memref<16384x128xf32, #tpu.memory_space<hbm>>, %arg5: memref<512xi32, #tpu.memory_space<vmem>>, %arg6: memref<512x128xf32, #tpu.memory_space<vmem>>, %arg7: memref<5x!tpu.dma_semaphore, #tpu.memory_space<semaphore_mem>>, %arg8: memref<5x!tpu.dma_semaphore, #tpu.memory_space<semaphore_mem>>) attributes {dimension_semantics = [#tpu.dimension_semantics<core_parallel>, #tpu.dimension_semantics<subcore_parallel>], iteration_bounds = array<i64: 2, 16>, scalar_prefetch = 0 : i64, scratch_operands = 4 : i64, tpu.core_type = #tpu.core_type<sc_vector_subcore>, window_params = [{transform_indices = #map}, {transform_indices = #map1}, {transform_indices = #map1}]} {
    %mul3A = arith.constant 2 : i32
    %mul3A_0 = arith.muli %arg1, %mul3A : i32
    %add3A = arith.addi %mul3A_0, %arg0 : i32
    %mul3A_1 = arith.constant 512 : i32
    %mul3A_2 = arith.muli %add3A, %mul3A_1 : i32
    "tpu.region"() ({
      %run_scoped3A = tpu.sem_alloc : memref<!tpu.dma_semaphore, #tpu.memory_space<semaphore_mem>>
      %dma_start3A_275 = tpu.memref_slice %arg2[%mul3A_2] : memref<16384xi32, #tpu.memory_space<hbm>> -> memref<512xi32, #tpu.memory_space<hbm>>
      %dma_start3A_276 = tpu.memref_slice %arg2[%mul3A_2] : memref<16384xi32, #tpu.memory_space<hbm>> -> memref<512xi32, #tpu.memory_space<hbm>>
      tpu.enqueue_dma source(%dma_start3A_276 : memref<512xi32, #tpu.memory_space<hbm>>) target(%arg5 : memref<512xi32, #tpu.memory_space<vmem>>) target_semaphore(%run_scoped3A : memref<!tpu.dma_semaphore, #tpu.memory_space<semaphore_mem>>)
      %dma_wait3A_277 = tpu.memref_slice %arg2[%mul3A_2] : memref<16384xi32, #tpu.memory_space<hbm>> -> memref<512xi32, #tpu.memory_space<hbm>>
      %dma_wait3A_278 = tpu.memref_slice %arg2[%mul3A_2] : memref<16384xi32, #tpu.memory_space<hbm>> -> memref<512xi32, #tpu.memory_space<hbm>>
      tpu.wait_dma2 semaphore(%run_scoped3A : memref<!tpu.dma_semaphore, #tpu.memory_space<semaphore_mem>>) src(%dma_wait3A_278 : memref<512xi32, #tpu.memory_space<hbm>>) dst(%arg5 : memref<512xi32, #tpu.memory_space<vmem>>)
      tpu.yield
    }) : () -> ()
    %dma_start3A = arith.constant 0 : i32
    %dma_start3A_3 = arith.constant 0 : i32
    %dma_start3A_4 = arith.constant 0 : i32
    %dma_start3A_5 = tpu.memref_slice %arg6[%dma_start3A_3, %dma_start3A_4] : memref<512x128xf32, #tpu.memory_space<vmem>> -> memref<112x128xf32, #tpu.memory_space<vmem>>
    %dma_start3A_6 = arith.constant 0 : i32
    %dma_start3A_7 = tpu.memref_slice %arg5[%dma_start3A_6] : memref<512xi32, #tpu.memory_space<vmem>> -> memref<112xi32, #tpu.memory_space<vmem>>
    %dma_start3A_8 = arith.constant 0 : i32
    %dma_start3A_9 = arith.constant 0 : i32
    %dma_start3A_10 = tpu.memref_slice %arg3[%dma_start3A_8, %dma_start3A_9] : memref<100000x128xf32, #tpu.memory_space<hbm>> -> memref<100000x128xf32, #tpu.memory_space<hbm>>
    %dma_start3A_11 = tpu.memref_slice %arg7[%dma_start3A] : memref<5x!tpu.dma_semaphore, #tpu.memory_space<semaphore_mem>> -> memref<1x!tpu.dma_semaphore, #tpu.memory_space<semaphore_mem>>
    %dma_start3A_12 = tpu.memref_squeeze %dma_start3A_11 : memref<1x!tpu.dma_semaphore, #tpu.memory_space<semaphore_mem>> -> memref<!tpu.dma_semaphore, #tpu.memory_space<semaphore_mem>>
    tpu.enqueue_indirect_dma source(%dma_start3A_10 : memref<100000x128xf32, #tpu.memory_space<hbm>>) target(%dma_start3A_5 : memref<112x128xf32, #tpu.memory_space<vmem>>) offsets(%dma_start3A_7 : memref<112xi32, #tpu.memory_space<vmem>>) semaphore(%dma_start3A_12 : memref<!tpu.dma_semaphore, #tpu.memory_space<semaphore_mem>>)
    %dma_start3A_13 = arith.constant 1 : i32
    %dma_start3A_14 = arith.constant 112 : i32
    %dma_start3A_15 = arith.constant 0 : i32
    %dma_start3A_16 = tpu.memref_slice %arg6[%dma_start3A_14, %dma_start3A_15] : memref<512x128xf32, #tpu.memory_space<vmem>> -> memref<104x128xf32, #tpu.memory_space<vmem>>
    %dma_start3A_17 = arith.constant 112 : i32
    %dma_start3A_18 = tpu.memref_slice %arg5[%dma_start3A_17] : memref<512xi32, #tpu.memory_space<vmem>> -> memref<104xi32, #tpu.memory_space<vmem>>
    %dma_start3A_19 = arith.constant 0 : i32
    %dma_start3A_20 = arith.constant 0 : i32
    %dma_start3A_21 = tpu.memref_slice %arg3[%dma_start3A_19, %dma_start3A_20] : memref<100000x128xf32, #tpu.memory_space<hbm>> -> memref<100000x128xf32, #tpu.memory_space<hbm>>
    %dma_start3A_22 = tpu.memref_slice %arg7[%dma_start3A_13] : memref<5x!tpu.dma_semaphore, #tpu.memory_space<semaphore_mem>> -> memref<1x!tpu.dma_semaphore, #tpu.memory_space<semaphore_mem>>
    %dma_start3A_23 = tpu.memref_squeeze %dma_start3A_22 : memref<1x!tpu.dma_semaphore, #tpu.memory_space<semaphore_mem>> -> memref<!tpu.dma_semaphore, #tpu.memory_space<semaphore_mem>>
    tpu.enqueue_indirect_dma source(%dma_start3A_21 : memref<100000x128xf32, #tpu.memory_space<hbm>>) target(%dma_start3A_16 : memref<104x128xf32, #tpu.memory_space<vmem>>) offsets(%dma_start3A_18 : memref<104xi32, #tpu.memory_space<vmem>>) semaphore(%dma_start3A_23 : memref<!tpu.dma_semaphore, #tpu.memory_space<semaphore_mem>>)
    %dma_start3A_24 = arith.constant 2 : i32
    %dma_start3A_25 = arith.constant 216 : i32
    %dma_start3A_26 = arith.constant 0 : i32
    %dma_start3A_27 = tpu.memref_slice %arg6[%dma_start3A_25, %dma_start3A_26] : memref<512x128xf32, #tpu.memory_space<vmem>> -> memref<104x128xf32, #tpu.memory_space<vmem>>
    %dma_start3A_28 = arith.constant 216 : i32
    %dma_start3A_29 = tpu.memref_slice %arg5[%dma_start3A_28] : memref<512xi32, #tpu.memory_space<vmem>> -> memref<104xi32, #tpu.memory_space<vmem>>
    %dma_start3A_30 = arith.constant 0 : i32
    %dma_start3A_31 = arith.constant 0 : i32
    %dma_start3A_32 = tpu.memref_slice %arg3[%dma_start3A_30, %dma_start3A_31] : memref<100000x128xf32, #tpu.memory_space<hbm>> -> memref<100000x128xf32, #tpu.memory_space<hbm>>
    %dma_start3A_33 = tpu.memref_slice %arg7[%dma_start3A_24] : memref<5x!tpu.dma_semaphore, #tpu.memory_space<semaphore_mem>> -> memref<1x!tpu.dma_semaphore, #tpu.memory_space<semaphore_mem>>
    %dma_start3A_34 = tpu.memref_squeeze %dma_start3A_33 : memref<1x!tpu.dma_semaphore, #tpu.memory_space<semaphore_mem>> -> memref<!tpu.dma_semaphore, #tpu.memory_space<semaphore_mem>>
    tpu.enqueue_indirect_dma source(%dma_start3A_32 : memref<100000x128xf32, #tpu.memory_space<hbm>>) target(%dma_start3A_27 : memref<104x128xf32, #tpu.memory_space<vmem>>) offsets(%dma_start3A_29 : memref<104xi32, #tpu.memory_space<vmem>>) semaphore(%dma_start3A_34 : memref<!tpu.dma_semaphore, #tpu.memory_space<semaphore_mem>>)
    %dma_start3A_35 = arith.constant 3 : i32
    %dma_start3A_36 = arith.constant 320 : i32
    %dma_start3A_37 = arith.constant 0 : i32
    %dma_start3A_38 = tpu.memref_slice %arg6[%dma_start3A_36, %dma_start3A_37] : memref<512x128xf32, #tpu.memory_space<vmem>> -> memref<96x128xf32, #tpu.memory_space<vmem>>
    %dma_start3A_39 = arith.constant 320 : i32
    %dma_start3A_40 = tpu.memref_slice %arg5[%dma_start3A_39] : memref<512xi32, #tpu.memory_space<vmem>> -> memref<96xi32, #tpu.memory_space<vmem>>
    %dma_start3A_41 = arith.constant 0 : i32
    %dma_start3A_42 = arith.constant 0 : i32
    %dma_start3A_43 = tpu.memref_slice %arg3[%dma_start3A_41, %dma_start3A_42] : memref<100000x128xf32, #tpu.memory_space<hbm>> -> memref<100000x128xf32, #tpu.memory_space<hbm>>
    %dma_start3A_44 = tpu.memref_slice %arg7[%dma_start3A_35] : memref<5x!tpu.dma_semaphore, #tpu.memory_space<semaphore_mem>> -> memref<1x!tpu.dma_semaphore, #tpu.memory_space<semaphore_mem>>
    %dma_start3A_45 = tpu.memref_squeeze %dma_start3A_44 : memref<1x!tpu.dma_semaphore, #tpu.memory_space<semaphore_mem>> -> memref<!tpu.dma_semaphore, #tpu.memory_space<semaphore_mem>>
    tpu.enqueue_indirect_dma source(%dma_start3A_43 : memref<100000x128xf32, #tpu.memory_space<hbm>>) target(%dma_start3A_38 : memref<96x128xf32, #tpu.memory_space<vmem>>) offsets(%dma_start3A_40 : memref<96xi32, #tpu.memory_space<vmem>>) semaphore(%dma_start3A_45 : memref<!tpu.dma_semaphore, #tpu.memory_space<semaphore_mem>>)
    %dma_start3A_46 = arith.constant 4 : i32
    %dma_start3A_47 = arith.constant 416 : i32
    %dma_start3A_48 = arith.constant 0 : i32
    %dma_start3A_49 = tpu.memref_slice %arg6[%dma_start3A_47, %dma_start3A_48] : memref<512x128xf32, #tpu.memory_space<vmem>> -> memref<96x128xf32, #tpu.memory_space<vmem>>
    %dma_start3A_50 = arith.constant 416 : i32
    %dma_start3A_51 = tpu.memref_slice %arg5[%dma_start3A_50] : memref<512xi32, #tpu.memory_space<vmem>> -> memref<96xi32, #tpu.memory_space<vmem>>
    %dma_start3A_52 = arith.constant 0 : i32
    %dma_start3A_53 = arith.constant 0 : i32
    %dma_start3A_54 = tpu.memref_slice %arg3[%dma_start3A_52, %dma_start3A_53] : memref<100000x128xf32, #tpu.memory_space<hbm>> -> memref<100000x128xf32, #tpu.memory_space<hbm>>
    %dma_start3A_55 = tpu.memref_slice %arg7[%dma_start3A_46] : memref<5x!tpu.dma_semaphore, #tpu.memory_space<semaphore_mem>> -> memref<1x!tpu.dma_semaphore, #tpu.memory_space<semaphore_mem>>
    %dma_start3A_56 = tpu.memref_squeeze %dma_start3A_55 : memref<1x!tpu.dma_semaphore, #tpu.memory_space<semaphore_mem>> -> memref<!tpu.dma_semaphore, #tpu.memory_space<semaphore_mem>>
    tpu.enqueue_indirect_dma source(%dma_start3A_54 : memref<100000x128xf32, #tpu.memory_space<hbm>>) target(%dma_start3A_49 : memref<96x128xf32, #tpu.memory_space<vmem>>) offsets(%dma_start3A_51 : memref<96xi32, #tpu.memory_space<vmem>>) semaphore(%dma_start3A_56 : memref<!tpu.dma_semaphore, #tpu.memory_space<semaphore_mem>>)
    %dma_wait3A = arith.constant 0 : i32
    %dma_wait3A_57 = arith.constant 0 : i32
    %dma_wait3A_58 = arith.constant 0 : i32
    %dma_wait3A_59 = tpu.memref_slice %arg6[%dma_wait3A_57, %dma_wait3A_58] : memref<512x128xf32, #tpu.memory_space<vmem>> -> memref<112x128xf32, #tpu.memory_space<vmem>>
    %dma_wait3A_60 = arith.constant 0 : i32
    %dma_wait3A_61 = tpu.memref_slice %arg5[%dma_wait3A_60] : memref<512xi32, #tpu.memory_space<vmem>> -> memref<112xi32, #tpu.memory_space<vmem>>
    %dma_wait3A_62 = arith.constant 0 : i32
    %dma_wait3A_63 = arith.constant 0 : i32
    %dma_wait3A_64 = tpu.memref_slice %arg3[%dma_wait3A_62, %dma_wait3A_63] : memref<100000x128xf32, #tpu.memory_space<hbm>> -> memref<100000x128xf32, #tpu.memory_space<hbm>>
    %dma_wait3A_65 = tpu.memref_slice %arg7[%dma_wait3A] : memref<5x!tpu.dma_semaphore, #tpu.memory_space<semaphore_mem>> -> memref<1x!tpu.dma_semaphore, #tpu.memory_space<semaphore_mem>>
    %dma_wait3A_66 = tpu.memref_squeeze %dma_wait3A_65 : memref<1x!tpu.dma_semaphore, #tpu.memory_space<semaphore_mem>> -> memref<!tpu.dma_semaphore, #tpu.memory_space<semaphore_mem>>
    tpu.wait_indirect_dma semaphore(%dma_wait3A_66 : memref<!tpu.dma_semaphore, #tpu.memory_space<semaphore_mem>>) src(%dma_wait3A_64 : memref<100000x128xf32, #tpu.memory_space<hbm>>) dst(%dma_wait3A_59 : memref<112x128xf32, #tpu.memory_space<vmem>>)
    %parallel_loop3A = arith.constant 0 : i32
    %parallel_loop3A_67 = arith.constant 112 : i32
    %parallel_loop3A_68 = arith.constant 1 : i32
    scf.for %parallel_loop3A_275 = %parallel_loop3A to %parallel_loop3A_67 step %parallel_loop3A_68  : i32 {
      %parallel_loop3A_276 = arith.index_cast %parallel_loop3A_275 : i32 to index
      %parallel_loop3A_277 = arith.constant 0 : index
      %parallel_loop3A_278 = tpu.vector_load %arg6[%parallel_loop3A_276, %parallel_loop3A_277] {strides = array<i32>} : memref<512x128xf32, #tpu.memory_space<vmem>>, vector<1x16xf32>,
      %parallel_loop3A_279 = vector.shape_cast %parallel_loop3A_278 : vector<1x16xf32> to vector<16xf32>
      %parallel_loop3A_280 = arith.constant 11.3137083 : f32
      %parallel_loop3A_281 = vector.broadcast %parallel_loop3A_280 : f32 to vector<16xf32>
      %parallel_loop3A_282 = arith.mulf %parallel_loop3A_279, %parallel_loop3A_281 : vector<16xf32>
      %parallel_loop3A_283 = arith.index_cast %parallel_loop3A_275 : i32 to index
      %parallel_loop3A_284 = arith.constant 0 : index
      %parallel_loop3A_285 = tpu.vector_load %arg6[%parallel_loop3A_283, %parallel_loop3A_284] {strides = array<i32>} : memref<512x128xf32, #tpu.memory_space<vmem>>, vector<1x16xf32>,
      %parallel_loop3A_286 = vector.shape_cast %parallel_loop3A_285 : vector<1x16xf32> to vector<16xf32>
      %parallel_loop3A_287 = vector.shape_cast %parallel_loop3A_282 : vector<16xf32> to vector<1x16xf32>
      tpu.vector_store %arg6[%parallel_loop3A_283, %parallel_loop3A_284], %parallel_loop3A_287 {strides = array<i32>} : memref<512x128xf32, #tpu.memory_space<vmem>>, vector<1x16xf32>,
      %parallel_loop3A_288 = arith.index_cast %parallel_loop3A_275 : i32 to index
      %parallel_loop3A_289 = arith.constant 16 : index
      %parallel_loop3A_290 = tpu.vector_load %arg6[%parallel_loop3A_288, %parallel_loop3A_289] {strides = array<i32>} : memref<512x128xf32, #tpu.memory_space<vmem>>, vector<1x16xf32>,
      %parallel_loop3A_291 = vector.shape_cast %parallel_loop3A_290 : vector<1x16xf32> to vector<16xf32>
      %parallel_loop3A_292 = arith.constant 11.3137083 : f32
      %parallel_loop3A_293 = vector.broadcast %parallel_loop3A_292 : f32 to vector<16xf32>
      %parallel_loop3A_294 = arith.mulf %parallel_loop3A_291, %parallel_loop3A_293 : vector<16xf32>
      %parallel_loop3A_295 = arith.index_cast %parallel_loop3A_275 : i32 to index
      %parallel_loop3A_296 = arith.constant 16 : index
      %parallel_loop3A_297 = tpu.vector_load %arg6[%parallel_loop3A_295, %parallel_loop3A_296] {strides = array<i32>} : memref<512x128xf32, #tpu.memory_space<vmem>>, vector<1x16xf32>,
      %parallel_loop3A_298 = vector.shape_cast %parallel_loop3A_297 : vector<1x16xf32> to vector<16xf32>
      %parallel_loop3A_299 = vector.shape_cast %parallel_loop3A_294 : vector<16xf32> to vector<1x16xf32>
      tpu.vector_store %arg6[%parallel_loop3A_295, %parallel_loop3A_296], %parallel_loop3A_299 {strides = array<i32>} : memref<512x128xf32, #tpu.memory_space<vmem>>, vector<1x16xf32>,
      %parallel_loop3A_300 = arith.index_cast %parallel_loop3A_275 : i32 to index
      %parallel_loop3A_301 = arith.constant 32 : index
      %parallel_loop3A_302 = tpu.vector_load %arg6[%parallel_loop3A_300, %parallel_loop3A_301] {strides = array<i32>} : memref<512x128xf32, #tpu.memory_space<vmem>>, vector<1x16xf32>,
      %parallel_loop3A_303 = vector.shape_cast %parallel_loop3A_302 : vector<1x16xf32> to vector<16xf32>
      %parallel_loop3A_304 = arith.constant 11.3137083 : f32
      %parallel_loop3A_305 = vector.broadcast %parallel_loop3A_304 : f32 to vector<16xf32>
      %parallel_loop3A_306 = arith.mulf %parallel_loop3A_303, %parallel_loop3A_305 : vector<16xf32>
      %parallel_loop3A_307 = arith.index_cast %parallel_loop3A_275 : i32 to index
      %parallel_loop3A_308 = arith.constant 32 : index
      %parallel_loop3A_309 = tpu.vector_load %arg6[%parallel_loop3A_307, %parallel_loop3A_308] {strides = array<i32>} : memref<512x128xf32, #tpu.memory_space<vmem>>, vector<1x16xf32>,
      %parallel_loop3A_310 = vector.shape_cast %parallel_loop3A_309 : vector<1x16xf32> to vector<16xf32>
      %parallel_loop3A_311 = vector.shape_cast %parallel_loop3A_306 : vector<16xf32> to vector<1x16xf32>
      tpu.vector_store %arg6[%parallel_loop3A_307, %parallel_loop3A_308], %parallel_loop3A_311 {strides = array<i32>} : memref<512x128xf32, #tpu.memory_space<vmem>>, vector<1x16xf32>,
      %parallel_loop3A_312 = arith.index_cast %parallel_loop3A_275 : i32 to index
      %parallel_loop3A_313 = arith.constant 48 : index
      %parallel_loop3A_314 = tpu.vector_load %arg6[%parallel_loop3A_312, %parallel_loop3A_313] {strides = array<i32>} : memref<512x128xf32, #tpu.memory_space<vmem>>, vector<1x16xf32>,
      %parallel_loop3A_315 = vector.shape_cast %parallel_loop3A_314 : vector<1x16xf32> to vector<16xf32>
      %parallel_loop3A_316 = arith.constant 11.3137083 : f32
      %parallel_loop3A_317 = vector.broadcast %parallel_loop3A_316 : f32 to vector<16xf32>
      %parallel_loop3A_318 = arith.mulf %parallel_loop3A_315, %parallel_loop3A_317 : vector<16xf32>
      %parallel_loop3A_319 = arith.index_cast %parallel_loop3A_275 : i32 to index
      %parallel_loop3A_320 = arith.constant 48 : index
      %parallel_loop3A_321 = tpu.vector_load %arg6[%parallel_loop3A_319, %parallel_loop3A_320] {strides = array<i32>} : memref<512x128xf32, #tpu.memory_space<vmem>>, vector<1x16xf32>,
      %parallel_loop3A_322 = vector.shape_cast %parallel_loop3A_321 : vector<1x16xf32> to vector<16xf32>
      %parallel_loop3A_323 = vector.shape_cast %parallel_loop3A_318 : vector<16xf32> to vector<1x16xf32>
      tpu.vector_store %arg6[%parallel_loop3A_319, %parallel_loop3A_320], %parallel_loop3A_323 {strides = array<i32>} : memref<512x128xf32, #tpu.memory_space<vmem>>, vector<1x16xf32>,
      %parallel_loop3A_324 = arith.index_cast %parallel_loop3A_275 : i32 to index
      %parallel_loop3A_325 = arith.constant 64 : index
      %parallel_loop3A_326 = tpu.vector_load %arg6[%parallel_loop3A_324, %parallel_loop3A_325] {strides = array<i32>} : memref<512x128xf32, #tpu.memory_space<vmem>>, vector<1x16xf32>,
      %parallel_loop3A_327 = vector.shape_cast %parallel_loop3A_326 : vector<1x16xf32> to vector<16xf32>
      %parallel_loop3A_328 = arith.constant 11.3137083 : f32
      %parallel_loop3A_329 = vector.broadcast %parallel_loop3A_328 : f32 to vector<16xf32>
      %parallel_loop3A_330 = arith.mulf %parallel_loop3A_327, %parallel_loop3A_329 : vector<16xf32>
      %parallel_loop3A_331 = arith.index_cast %parallel_loop3A_275 : i32 to index
      %parallel_loop3A_332 = arith.constant 64 : index
      %parallel_loop3A_333 = tpu.vector_load %arg6[%parallel_loop3A_331, %parallel_loop3A_332] {strides = array<i32>} : memref<512x128xf32, #tpu.memory_space<vmem>>, vector<1x16xf32>,
      %parallel_loop3A_334 = vector.shape_cast %parallel_loop3A_333 : vector<1x16xf32> to vector<16xf32>
      %parallel_loop3A_335 = vector.shape_cast %parallel_loop3A_330 : vector<16xf32> to vector<1x16xf32>
      tpu.vector_store %arg6[%parallel_loop3A_331, %parallel_loop3A_332], %parallel_loop3A_335 {strides = array<i32>} : memref<512x128xf32, #tpu.memory_space<vmem>>, vector<1x16xf32>,
      %parallel_loop3A_336 = arith.index_cast %parallel_loop3A_275 : i32 to index
      %parallel_loop3A_337 = arith.constant 80 : index
      %parallel_loop3A_338 = tpu.vector_load %arg6[%parallel_loop3A_336, %parallel_loop3A_337] {strides = array<i32>} : memref<512x128xf32, #tpu.memory_space<vmem>>, vector<1x16xf32>,
      %parallel_loop3A_339 = vector.shape_cast %parallel_loop3A_338 : vector<1x16xf32> to vector<16xf32>
      %parallel_loop3A_340 = arith.constant 11.3137083 : f32
      %parallel_loop3A_341 = vector.broadcast %parallel_loop3A_340 : f32 to vector<16xf32>
      %parallel_loop3A_342 = arith.mulf %parallel_loop3A_339, %parallel_loop3A_341 : vector<16xf32>
      %parallel_loop3A_343 = arith.index_cast %parallel_loop3A_275 : i32 to index
      %parallel_loop3A_344 = arith.constant 80 : index
      %parallel_loop3A_345 = tpu.vector_load %arg6[%parallel_loop3A_343, %parallel_loop3A_344] {strides = array<i32>} : memref<512x128xf32, #tpu.memory_space<vmem>>, vector<1x16xf32>,
      %parallel_loop3A_346 = vector.shape_cast %parallel_loop3A_345 : vector<1x16xf32> to vector<16xf32>
      %parallel_loop3A_347 = vector.shape_cast %parallel_loop3A_342 : vector<16xf32> to vector<1x16xf32>
      tpu.vector_store %arg6[%parallel_loop3A_343, %parallel_loop3A_344], %parallel_loop3A_347 {strides = array<i32>} : memref<512x128xf32, #tpu.memory_space<vmem>>, vector<1x16xf32>,
      %parallel_loop3A_348 = arith.index_cast %parallel_loop3A_275 : i32 to index
      %parallel_loop3A_349 = arith.constant 96 : index
      %parallel_loop3A_350 = tpu.vector_load %arg6[%parallel_loop3A_348, %parallel_loop3A_349] {strides = array<i32>} : memref<512x128xf32, #tpu.memory_space<vmem>>, vector<1x16xf32>,
      %parallel_loop3A_351 = vector.shape_cast %parallel_loop3A_350 : vector<1x16xf32> to vector<16xf32>
      %parallel_loop3A_352 = arith.constant 11.3137083 : f32
      %parallel_loop3A_353 = vector.broadcast %parallel_loop3A_352 : f32 to vector<16xf32>
      %parallel_loop3A_354 = arith.mulf %parallel_loop3A_351, %parallel_loop3A_353 : vector<16xf32>
      %parallel_loop3A_355 = arith.index_cast %parallel_loop3A_275 : i32 to index
      %parallel_loop3A_356 = arith.constant 96 : index
      %parallel_loop3A_357 = tpu.vector_load %arg6[%parallel_loop3A_355, %parallel_loop3A_356] {strides = array<i32>} : memref<512x128xf32, #tpu.memory_space<vmem>>, vector<1x16xf32>,
      %parallel_loop3A_358 = vector.shape_cast %parallel_loop3A_357 : vector<1x16xf32> to vector<16xf32>
      %parallel_loop3A_359 = vector.shape_cast %parallel_loop3A_354 : vector<16xf32> to vector<1x16xf32>
      tpu.vector_store %arg6[%parallel_loop3A_355, %parallel_loop3A_356], %parallel_loop3A_359 {strides = array<i32>} : memref<512x128xf32, #tpu.memory_space<vmem>>, vector<1x16xf32>,
      %parallel_loop3A_360 = arith.index_cast %parallel_loop3A_275 : i32 to index
      %parallel_loop3A_361 = arith.constant 112 : index
      %parallel_loop3A_362 = tpu.vector_load %arg6[%parallel_loop3A_360, %parallel_loop3A_361] {strides = array<i32>} : memref<512x128xf32, #tpu.memory_space<vmem>>, vector<1x16xf32>,
      %parallel_loop3A_363 = vector.shape_cast %parallel_loop3A_362 : vector<1x16xf32> to vector<16xf32>
      %parallel_loop3A_364 = arith.constant 11.3137083 : f32
      %parallel_loop3A_365 = vector.broadcast %parallel_loop3A_364 : f32 to vector<16xf32>
      %parallel_loop3A_366 = arith.mulf %parallel_loop3A_363, %parallel_loop3A_365 : vector<16xf32>
      %parallel_loop3A_367 = arith.index_cast %parallel_loop3A_275 : i32 to index
      %parallel_loop3A_368 = arith.constant 112 : index
      %parallel_loop3A_369 = tpu.vector_load %arg6[%parallel_loop3A_367, %parallel_loop3A_368] {strides = array<i32>} : memref<512x128xf32, #tpu.memory_space<vmem>>, vector<1x16xf32>,
      %parallel_loop3A_370 = vector.shape_cast %parallel_loop3A_369 : vector<1x16xf32> to vector<16xf32>
      %parallel_loop3A_371 = vector.shape_cast %parallel_loop3A_366 : vector<16xf32> to vector<1x16xf32>
      tpu.vector_store %arg6[%parallel_loop3A_367, %parallel_loop3A_368], %parallel_loop3A_371 {strides = array<i32>} : memref<512x128xf32, #tpu.memory_space<vmem>>, vector<1x16xf32>,
    } {sc.loop_unroll_factor = 4 : i64, sc.parallel_access}
    %add3A_69 = arith.constant 0 : i32
    %add3A_70 = arith.addi %mul3A_2, %add3A_69 : i32
    %dma_start3A_71 = arith.constant 0 : i32
    %dma_start3A_72 = arith.constant 0 : i32
    %dma_start3A_73 = arith.constant 0 : i32
    %dma_start3A_74 = tpu.memref_slice %arg6[%dma_start3A_72, %dma_start3A_73] : memref<512x128xf32, #tpu.memory_space<vmem>> -> memref<112x128xf32, #tpu.memory_space<vmem>>
    %dma_start3A_75 = arith.constant 0 : i32
    %dma_start3A_76 = tpu.memref_slice %arg4[%add3A_70, %dma_start3A_75] : memref<16384x128xf32, #tpu.memory_space<hbm>> -> memref<112x128xf32, #tpu.memory_space<hbm>>
    %dma_start3A_77 = tpu.memref_slice %arg8[%dma_start3A_71] : memref<5x!tpu.dma_semaphore, #tpu.memory_space<semaphore_mem>> -> memref<1x!tpu.dma_semaphore, #tpu.memory_space<semaphore_mem>>
    %dma_start3A_78 = tpu.memref_squeeze %dma_start3A_77 : memref<1x!tpu.dma_semaphore, #tpu.memory_space<semaphore_mem>> -> memref<!tpu.dma_semaphore, #tpu.memory_space<semaphore_mem>>
    %dma_start3A_79 = arith.constant 0 : i32
    %dma_start3A_80 = tpu.memref_slice %arg4[%add3A_70, %dma_start3A_79] : memref<16384x128xf32, #tpu.memory_space<hbm>> -> memref<112x128xf32, #tpu.memory_space<hbm>>
    %dma_start3A_81 = arith.constant 0 : i32
    %dma_start3A_82 = arith.constant 0 : i32
    %dma_start3A_83 = tpu.memref_slice %arg6[%dma_start3A_81, %dma_start3A_82] : memref<512x128xf32, #tpu.memory_space<vmem>> -> memref<112x128xf32, #tpu.memory_space<vmem>>
    tpu.enqueue_dma source(%dma_start3A_83 : memref<112x128xf32, #tpu.memory_space<vmem>>) target(%dma_start3A_80 : memref<112x128xf32, #tpu.memory_space<hbm>>) target_semaphore(%dma_start3A_78 : memref<!tpu.dma_semaphore, #tpu.memory_space<semaphore_mem>>)
    %dma_wait3A_84 = arith.constant 1 : i32
    %dma_wait3A_85 = arith.constant 112 : i32
    %dma_wait3A_86 = arith.constant 0 : i32
    %dma_wait3A_87 = tpu.memref_slice %arg6[%dma_wait3A_85, %dma_wait3A_86] : memref<512x128xf32, #tpu.memory_space<vmem>> -> memref<104x128xf32, #tpu.memory_space<vmem>>
    %dma_wait3A_88 = arith.constant 112 : i32
    %dma_wait3A_89 = tpu.memref_slice %arg5[%dma_wait3A_88] : memref<512xi32, #tpu.memory_space<vmem>> -> memref<104xi32, #tpu.memory_space<vmem>>
    %dma_wait3A_90 = arith.constant 0 : i32
    %dma_wait3A_91 = arith.constant 0 : i32
    %dma_wait3A_92 = tpu.memref_slice %arg3[%dma_wait3A_90, %dma_wait3A_91] : memref<100000x128xf32, #tpu.memory_space<hbm>> -> memref<100000x128xf32, #tpu.memory_space<hbm>>
    %dma_wait3A_93 = tpu.memref_slice %arg7[%dma_wait3A_84] : memref<5x!tpu.dma_semaphore, #tpu.memory_space<semaphore_mem>> -> memref<1x!tpu.dma_semaphore, #tpu.memory_space<semaphore_mem>>
    %dma_wait3A_94 = tpu.memref_squeeze %dma_wait3A_93 : memref<1x!tpu.dma_semaphore, #tpu.memory_space<semaphore_mem>> -> memref<!tpu.dma_semaphore, #tpu.memory_space<semaphore_mem>>
    tpu.wait_indirect_dma semaphore(%dma_wait3A_94 : memref<!tpu.dma_semaphore, #tpu.memory_space<semaphore_mem>>) src(%dma_wait3A_92 : memref<100000x128xf32, #tpu.memory_space<hbm>>) dst(%dma_wait3A_87 : memref<104x128xf32, #tpu.memory_space<vmem>>)
    %parallel_loop3A_95 = arith.constant 112 : i32
    %parallel_loop3A_96 = arith.constant 216 : i32
    %parallel_loop3A_97 = arith.constant 1 : i32
    scf.for %parallel_loop3A_275 = %parallel_loop3A_95 to %parallel_loop3A_96 step %parallel_loop3A_97  : i32 {
      %parallel_loop3A_276 = arith.index_cast %parallel_loop3A_275 : i32 to index
      %parallel_loop3A_277 = arith.constant 0 : index
      %parallel_loop3A_278 = tpu.vector_load %arg6[%parallel_loop3A_276, %parallel_loop3A_277] {strides = array<i32>} : memref<512x128xf32, #tpu.memory_space<vmem>>, vector<1x16xf32>,
      %parallel_loop3A_279 = vector.shape_cast %parallel_loop3A_278 : vector<1x16xf32> to vector<16xf32>
      %parallel_loop3A_280 = arith.constant 11.3137083 : f32
      %parallel_loop3A_281 = vector.broadcast %parallel_loop3A_280 : f32 to vector<16xf32>
      %parallel_loop3A_282 = arith.mulf %parallel_loop3A_279, %parallel_loop3A_281 : vector<16xf32>
      %parallel_loop3A_283 = arith.index_cast %parallel_loop3A_275 : i32 to index
      %parallel_loop3A_284 = arith.constant 0 : index
      %parallel_loop3A_285 = tpu.vector_load %arg6[%parallel_loop3A_283, %parallel_loop3A_284] {strides = array<i32>} : memref<512x128xf32, #tpu.memory_space<vmem>>, vector<1x16xf32>,
      %parallel_loop3A_286 = vector.shape_cast %parallel_loop3A_285 : vector<1x16xf32> to vector<16xf32>
      %parallel_loop3A_287 = vector.shape_cast %parallel_loop3A_282 : vector<16xf32> to vector<1x16xf32>
      tpu.vector_store %arg6[%parallel_loop3A_283, %parallel_loop3A_284], %parallel_loop3A_287 {strides = array<i32>} : memref<512x128xf32, #tpu.memory_space<vmem>>, vector<1x16xf32>,
      %parallel_loop3A_288 = arith.index_cast %parallel_loop3A_275 : i32 to index
      %parallel_loop3A_289 = arith.constant 16 : index
      %parallel_loop3A_290 = tpu.vector_load %arg6[%parallel_loop3A_288, %parallel_loop3A_289] {strides = array<i32>} : memref<512x128xf32, #tpu.memory_space<vmem>>, vector<1x16xf32>,
      %parallel_loop3A_291 = vector.shape_cast %parallel_loop3A_290 : vector<1x16xf32> to vector<16xf32>
      %parallel_loop3A_292 = arith.constant 11.3137083 : f32
      %parallel_loop3A_293 = vector.broadcast %parallel_loop3A_292 : f32 to vector<16xf32>
      %parallel_loop3A_294 = arith.mulf %parallel_loop3A_291, %parallel_loop3A_293 : vector<16xf32>
      %parallel_loop3A_295 = arith.index_cast %parallel_loop3A_275 : i32 to index
      %parallel_loop3A_296 = arith.constant 16 : index
      %parallel_loop3A_297 = tpu.vector_load %arg6[%parallel_loop3A_295, %parallel_loop3A_296] {strides = array<i32>} : memref<512x128xf32, #tpu.memory_space<vmem>>, vector<1x16xf32>,
      %parallel_loop3A_298 = vector.shape_cast %parallel_loop3A_297 : vector<1x16xf32> to vector<16xf32>
      %parallel_loop3A_299 = vector.shape_cast %parallel_loop3A_294 : vector<16xf32> to vector<1x16xf32>
      tpu.vector_store %arg6[%parallel_loop3A_295, %parallel_loop3A_296], %parallel_loop3A_299 {strides = array<i32>} : memref<512x128xf32, #tpu.memory_space<vmem>>, vector<1x16xf32>,
      %parallel_loop3A_300 = arith.index_cast %parallel_loop3A_275 : i32 to index
      %parallel_loop3A_301 = arith.constant 32 : index
      %parallel_loop3A_302 = tpu.vector_load %arg6[%parallel_loop3A_300, %parallel_loop3A_301] {strides = array<i32>} : memref<512x128xf32, #tpu.memory_space<vmem>>, vector<1x16xf32>,
      %parallel_loop3A_303 = vector.shape_cast %parallel_loop3A_302 : vector<1x16xf32> to vector<16xf32>
      %parallel_loop3A_304 = arith.constant 11.3137083 : f32
      %parallel_loop3A_305 = vector.broadcast %parallel_loop3A_304 : f32 to vector<16xf32>
      %parallel_loop3A_306 = arith.mulf %parallel_loop3A_303, %parallel_loop3A_305 : vector<16xf32>
      %parallel_loop3A_307 = arith.index_cast %parallel_loop3A_275 : i32 to index
      %parallel_loop3A_308 = arith.constant 32 : index
      %parallel_loop3A_309 = tpu.vector_load %arg6[%parallel_loop3A_307, %parallel_loop3A_308] {strides = array<i32>} : memref<512x128xf32, #tpu.memory_space<vmem>>, vector<1x16xf32>,
      %parallel_loop3A_310 = vector.shape_cast %parallel_loop3A_309 : vector<1x16xf32> to vector<16xf32>
      %parallel_loop3A_311 = vector.shape_cast %parallel_loop3A_306 : vector<16xf32> to vector<1x16xf32>
      tpu.vector_store %arg6[%parallel_loop3A_307, %parallel_loop3A_308], %parallel_loop3A_311 {strides = array<i32>} : memref<512x128xf32, #tpu.memory_space<vmem>>, vector<1x16xf32>,
      %parallel_loop3A_312 = arith.index_cast %parallel_loop3A_275 : i32 to index
      %parallel_loop3A_313 = arith.constant 48 : index
      %parallel_loop3A_314 = tpu.vector_load %arg6[%parallel_loop3A_312, %parallel_loop3A_313] {strides = array<i32>} : memref<512x128xf32, #tpu.memory_space<vmem>>, vector<1x16xf32>,
      %parallel_loop3A_315 = vector.shape_cast %parallel_loop3A_314 : vector<1x16xf32> to vector<16xf32>
      %parallel_loop3A_316 = arith.constant 11.3137083 : f32
      %parallel_loop3A_317 = vector.broadcast %parallel_loop3A_316 : f32 to vector<16xf32>
      %parallel_loop3A_318 = arith.mulf %parallel_loop3A_315, %parallel_loop3A_317 : vector<16xf32>
      %parallel_loop3A_319 = arith.index_cast %parallel_loop3A_275 : i32 to index
      %parallel_loop3A_320 = arith.constant 48 : index
      %parallel_loop3A_321 = tpu.vector_load %arg6[%parallel_loop3A_319, %parallel_loop3A_320] {strides = array<i32>} : memref<512x128xf32, #tpu.memory_space<vmem>>, vector<1x16xf32>,
      %parallel_loop3A_322 = vector.shape_cast %parallel_loop3A_321 : vector<1x16xf32> to vector<16xf32>
      %parallel_loop3A_323 = vector.shape_cast %parallel_loop3A_318 : vector<16xf32> to vector<1x16xf32>
      tpu.vector_store %arg6[%parallel_loop3A_319, %parallel_loop3A_320], %parallel_loop3A_323 {strides = array<i32>} : memref<512x128xf32, #tpu.memory_space<vmem>>, vector<1x16xf32>,
      %parallel_loop3A_324 = arith.index_cast %parallel_loop3A_275 : i32 to index
      %parallel_loop3A_325 = arith.constant 64 : index
      %parallel_loop3A_326 = tpu.vector_load %arg6[%parallel_loop3A_324, %parallel_loop3A_325] {strides = array<i32>} : memref<512x128xf32, #tpu.memory_space<vmem>>, vector<1x16xf32>,
      %parallel_loop3A_327 = vector.shape_cast %parallel_loop3A_326 : vector<1x16xf32> to vector<16xf32>
      %parallel_loop3A_328 = arith.constant 11.3137083 : f32
      %parallel_loop3A_329 = vector.broadcast %parallel_loop3A_328 : f32 to vector<16xf32>
      %parallel_loop3A_330 = arith.mulf %parallel_loop3A_327, %parallel_loop3A_329 : vector<16xf32>
      %parallel_loop3A_331 = arith.index_cast %parallel_loop3A_275 : i32 to index
      %parallel_loop3A_332 = arith.constant 64 : index
      %parallel_loop3A_333 = tpu.vector_load %arg6[%parallel_loop3A_331, %parallel_loop3A_332] {strides = array<i32>} : memref<512x128xf32, #tpu.memory_space<vmem>>, vector<1x16xf32>,
      %parallel_loop3A_334 = vector.shape_cast %parallel_loop3A_333 : vector<1x16xf32> to vector<16xf32>
      %parallel_loop3A_335 = vector.shape_cast %parallel_loop3A_330 : vector<16xf32> to vector<1x16xf32>
      tpu.vector_store %arg6[%parallel_loop3A_331, %parallel_loop3A_332], %parallel_loop3A_335 {strides = array<i32>} : memref<512x128xf32, #tpu.memory_space<vmem>>, vector<1x16xf32>,
      %parallel_loop3A_336 = arith.index_cast %parallel_loop3A_275 : i32 to index
      %parallel_loop3A_337 = arith.constant 80 : index
      %parallel_loop3A_338 = tpu.vector_load %arg6[%parallel_loop3A_336, %parallel_loop3A_337] {strides = array<i32>} : memref<512x128xf32, #tpu.memory_space<vmem>>, vector<1x16xf32>,
      %parallel_loop3A_339 = vector.shape_cast %parallel_loop3A_338 : vector<1x16xf32> to vector<16xf32>
      %parallel_loop3A_340 = arith.constant 11.3137083 : f32
      %parallel_loop3A_341 = vector.broadcast %parallel_loop3A_340 : f32 to vector<16xf32>
      %parallel_loop3A_342 = arith.mulf %parallel_loop3A_339, %parallel_loop3A_341 : vector<16xf32>
      %parallel_loop3A_343 = arith.index_cast %parallel_loop3A_275 : i32 to index
      %parallel_loop3A_344 = arith.constant 80 : index
      %parallel_loop3A_345 = tpu.vector_load %arg6[%parallel_loop3A_343, %parallel_loop3A_344] {strides = array<i32>} : memref<512x128xf32, #tpu.memory_space<vmem>>, vector<1x16xf32>,
      %parallel_loop3A_346 = vector.shape_cast %parallel_loop3A_345 : vector<1x16xf32> to vector<16xf32>
      %parallel_loop3A_347 = vector.shape_cast %parallel_loop3A_342 : vector<16xf32> to vector<1x16xf32>
      tpu.vector_store %arg6[%parallel_loop3A_343, %parallel_loop3A_344], %parallel_loop3A_347 {strides = array<i32>} : memref<512x128xf32, #tpu.memory_space<vmem>>, vector<1x16xf32>,
      %parallel_loop3A_348 = arith.index_cast %parallel_loop3A_275 : i32 to index
      %parallel_loop3A_349 = arith.constant 96 : index
      %parallel_loop3A_350 = tpu.vector_load %arg6[%parallel_loop3A_348, %parallel_loop3A_349] {strides = array<i32>} : memref<512x128xf32, #tpu.memory_space<vmem>>, vector<1x16xf32>,
      %parallel_loop3A_351 = vector.shape_cast %parallel_loop3A_350 : vector<1x16xf32> to vector<16xf32>
      %parallel_loop3A_352 = arith.constant 11.3137083 : f32
      %parallel_loop3A_353 = vector.broadcast %parallel_loop3A_352 : f32 to vector<16xf32>
      %parallel_loop3A_354 = arith.mulf %parallel_loop3A_351, %parallel_loop3A_353 : vector<16xf32>
      %parallel_loop3A_355 = arith.index_cast %parallel_loop3A_275 : i32 to index
      %parallel_loop3A_356 = arith.constant 96 : index
      %parallel_loop3A_357 = tpu.vector_load %arg6[%parallel_loop3A_355, %parallel_loop3A_356] {strides = array<i32>} : memref<512x128xf32, #tpu.memory_space<vmem>>, vector<1x16xf32>,
      %parallel_loop3A_358 = vector.shape_cast %parallel_loop3A_357 : vector<1x16xf32> to vector<16xf32>
      %parallel_loop3A_359 = vector.shape_cast %parallel_loop3A_354 : vector<16xf32> to vector<1x16xf32>
      tpu.vector_store %arg6[%parallel_loop3A_355, %parallel_loop3A_356], %parallel_loop3A_359 {strides = array<i32>} : memref<512x128xf32, #tpu.memory_space<vmem>>, vector<1x16xf32>,
      %parallel_loop3A_360 = arith.index_cast %parallel_loop3A_275 : i32 to index
      %parallel_loop3A_361 = arith.constant 112 : index
      %parallel_loop3A_362 = tpu.vector_load %arg6[%parallel_loop3A_360, %parallel_loop3A_361] {strides = array<i32>} : memref<512x128xf32, #tpu.memory_space<vmem>>, vector<1x16xf32>,
      %parallel_loop3A_363 = vector.shape_cast %parallel_loop3A_362 : vector<1x16xf32> to vector<16xf32>
      %parallel_loop3A_364 = arith.constant 11.3137083 : f32
      %parallel_loop3A_365 = vector.broadcast %parallel_loop3A_364 : f32 to vector<16xf32>
      %parallel_loop3A_366 = arith.mulf %parallel_loop3A_363, %parallel_loop3A_365 : vector<16xf32>
      %parallel_loop3A_367 = arith.index_cast %parallel_loop3A_275 : i32 to index
      %parallel_loop3A_368 = arith.constant 112 : index
      %parallel_loop3A_369 = tpu.vector_load %arg6[%parallel_loop3A_367, %parallel_loop3A_368] {strides = array<i32>} : memref<512x128xf32, #tpu.memory_space<vmem>>, vector<1x16xf32>,
      %parallel_loop3A_370 = vector.shape_cast %parallel_loop3A_369 : vector<1x16xf32> to vector<16xf32>
      %parallel_loop3A_371 = vector.shape_cast %parallel_loop3A_366 : vector<16xf32> to vector<1x16xf32>
      tpu.vector_store %arg6[%parallel_loop3A_367, %parallel_loop3A_368], %parallel_loop3A_371 {strides = array<i32>} : memref<512x128xf32, #tpu.memory_space<vmem>>, vector<1x16xf32>,
    } {sc.loop_unroll_factor = 4 : i64, sc.parallel_access}
    %add3A_98 = arith.constant 112 : i32
    %add3A_99 = arith.addi %mul3A_2, %add3A_98 : i32
    %dma_start3A_100 = arith.constant 1 : i32
    %dma_start3A_101 = arith.constant 112 : i32
    %dma_start3A_102 = arith.constant 0 : i32
    %dma_start3A_103 = tpu.memref_slice %arg6[%dma_start3A_101, %dma_start3A_102] : memref<512x128xf32, #tpu.memory_space<vmem>> -> memref<104x128xf32, #tpu.memory_space<vmem>>
    %dma_start3A_104 = arith.constant 0 : i32
    %dma_start3A_105 = tpu.memref_slice %arg4[%add3A_99, %dma_start3A_104] : memref<16384x128xf32, #tpu.memory_space<hbm>> -> memref<104x128xf32, #tpu.memory_space<hbm>>
    %dma_start3A_106 = tpu.memref_slice %arg8[%dma_start3A_100] : memref<5x!tpu.dma_semaphore, #tpu.memory_space<semaphore_mem>> -> memref<1x!tpu.dma_semaphore, #tpu.memory_space<semaphore_mem>>
    %dma_start3A_107 = tpu.memref_squeeze %dma_start3A_106 : memref<1x!tpu.dma_semaphore, #tpu.memory_space<semaphore_mem>> -> memref<!tpu.dma_semaphore, #tpu.memory_space<semaphore_mem>>
    %dma_start3A_108 = arith.constant 0 : i32
    %dma_start3A_109 = tpu.memref_slice %arg4[%add3A_99, %dma_start3A_108] : memref<16384x128xf32, #tpu.memory_space<hbm>> -> memref<104x128xf32, #tpu.memory_space<hbm>>
    %dma_start3A_110 = arith.constant 112 : i32
    %dma_start3A_111 = arith.constant 0 : i32
    %dma_start3A_112 = tpu.memref_slice %arg6[%dma_start3A_110, %dma_start3A_111] : memref<512x128xf32, #tpu.memory_space<vmem>> -> memref<104x128xf32, #tpu.memory_space<vmem>>
    tpu.enqueue_dma source(%dma_start3A_112 : memref<104x128xf32, #tpu.memory_space<vmem>>) target(%dma_start3A_109 : memref<104x128xf32, #tpu.memory_space<hbm>>) target_semaphore(%dma_start3A_107 : memref<!tpu.dma_semaphore, #tpu.memory_space<semaphore_mem>>)
    %dma_wait3A_113 = arith.constant 2 : i32
    %dma_wait3A_114 = arith.constant 216 : i32
    %dma_wait3A_115 = arith.constant 0 : i32
    %dma_wait3A_116 = tpu.memref_slice %arg6[%dma_wait3A_114, %dma_wait3A_115] : memref<512x128xf32, #tpu.memory_space<vmem>> -> memref<104x128xf32, #tpu.memory_space<vmem>>
    %dma_wait3A_117 = arith.constant 216 : i32
    %dma_wait3A_118 = tpu.memref_slice %arg5[%dma_wait3A_117] : memref<512xi32, #tpu.memory_space<vmem>> -> memref<104xi32, #tpu.memory_space<vmem>>
    %dma_wait3A_119 = arith.constant 0 : i32
    %dma_wait3A_120 = arith.constant 0 : i32
    %dma_wait3A_121 = tpu.memref_slice %arg3[%dma_wait3A_119, %dma_wait3A_120] : memref<100000x128xf32, #tpu.memory_space<hbm>> -> memref<100000x128xf32, #tpu.memory_space<hbm>>
    %dma_wait3A_122 = tpu.memref_slice %arg7[%dma_wait3A_113] : memref<5x!tpu.dma_semaphore, #tpu.memory_space<semaphore_mem>> -> memref<1x!tpu.dma_semaphore, #tpu.memory_space<semaphore_mem>>
    %dma_wait3A_123 = tpu.memref_squeeze %dma_wait3A_122 : memref<1x!tpu.dma_semaphore, #tpu.memory_space<semaphore_mem>> -> memref<!tpu.dma_semaphore, #tpu.memory_space<semaphore_mem>>
    tpu.wait_indirect_dma semaphore(%dma_wait3A_123 : memref<!tpu.dma_semaphore, #tpu.memory_space<semaphore_mem>>) src(%dma_wait3A_121 : memref<100000x128xf32, #tpu.memory_space<hbm>>) dst(%dma_wait3A_116 : memref<104x128xf32, #tpu.memory_space<vmem>>)
    %parallel_loop3A_124 = arith.constant 216 : i32
    %parallel_loop3A_125 = arith.constant 320 : i32
    %parallel_loop3A_126 = arith.constant 1 : i32
    scf.for %parallel_loop3A_275 = %parallel_loop3A_124 to %parallel_loop3A_125 step %parallel_loop3A_126  : i32 {
      %parallel_loop3A_276 = arith.index_cast %parallel_loop3A_275 : i32 to index
      %parallel_loop3A_277 = arith.constant 0 : index
      %parallel_loop3A_278 = tpu.vector_load %arg6[%parallel_loop3A_276, %parallel_loop3A_277] {strides = array<i32>} : memref<512x128xf32, #tpu.memory_space<vmem>>, vector<1x16xf32>,
      %parallel_loop3A_279 = vector.shape_cast %parallel_loop3A_278 : vector<1x16xf32> to vector<16xf32>
      %parallel_loop3A_280 = arith.constant 11.3137083 : f32
      %parallel_loop3A_281 = vector.broadcast %parallel_loop3A_280 : f32 to vector<16xf32>
      %parallel_loop3A_282 = arith.mulf %parallel_loop3A_279, %parallel_loop3A_281 : vector<16xf32>
      %parallel_loop3A_283 = arith.index_cast %parallel_loop3A_275 : i32 to index
      %parallel_loop3A_284 = arith.constant 0 : index
      %parallel_loop3A_285 = tpu.vector_load %arg6[%parallel_loop3A_283, %parallel_loop3A_284] {strides = array<i32>} : memref<512x128xf32, #tpu.memory_space<vmem>>, vector<1x16xf32>,
      %parallel_loop3A_286 = vector.shape_cast %parallel_loop3A_285 : vector<1x16xf32> to vector<16xf32>
      %parallel_loop3A_287 = vector.shape_cast %parallel_loop3A_282 : vector<16xf32> to vector<1x16xf32>
      tpu.vector_store %arg6[%parallel_loop3A_283, %parallel_loop3A_284], %parallel_loop3A_287 {strides = array<i32>} : memref<512x128xf32, #tpu.memory_space<vmem>>, vector<1x16xf32>,
      %parallel_loop3A_288 = arith.index_cast %parallel_loop3A_275 : i32 to index
      %parallel_loop3A_289 = arith.constant 16 : index
      %parallel_loop3A_290 = tpu.vector_load %arg6[%parallel_loop3A_288, %parallel_loop3A_289] {strides = array<i32>} : memref<512x128xf32, #tpu.memory_space<vmem>>, vector<1x16xf32>,
      %parallel_loop3A_291 = vector.shape_cast %parallel_loop3A_290 : vector<1x16xf32> to vector<16xf32>
      %parallel_loop3A_292 = arith.constant 11.3137083 : f32
      %parallel_loop3A_293 = vector.broadcast %parallel_loop3A_292 : f32 to vector<16xf32>
      %parallel_loop3A_294 = arith.mulf %parallel_loop3A_291, %parallel_loop3A_293 : vector<16xf32>
      %parallel_loop3A_295 = arith.index_cast %parallel_loop3A_275 : i32 to index
      %parallel_loop3A_296 = arith.constant 16 : index
      %parallel_loop3A_297 = tpu.vector_load %arg6[%parallel_loop3A_295, %parallel_loop3A_296] {strides = array<i32>} : memref<512x128xf32, #tpu.memory_space<vmem>>, vector<1x16xf32>,
      %parallel_loop3A_298 = vector.shape_cast %parallel_loop3A_297 : vector<1x16xf32> to vector<16xf32>
      %parallel_loop3A_299 = vector.shape_cast %parallel_loop3A_294 : vector<16xf32> to vector<1x16xf32>
      tpu.vector_store %arg6[%parallel_loop3A_295, %parallel_loop3A_296], %parallel_loop3A_299 {strides = array<i32>} : memref<512x128xf32, #tpu.memory_space<vmem>>, vector<1x16xf32>,
      %parallel_loop3A_300 = arith.index_cast %parallel_loop3A_275 : i32 to index
      %parallel_loop3A_301 = arith.constant 32 : index
      %parallel_loop3A_302 = tpu.vector_load %arg6[%parallel_loop3A_300, %parallel_loop3A_301] {strides = array<i32>} : memref<512x128xf32, #tpu.memory_space<vmem>>, vector<1x16xf32>,
      %parallel_loop3A_303 = vector.shape_cast %parallel_loop3A_302 : vector<1x16xf32> to vector<16xf32>
      %parallel_loop3A_304 = arith.constant 11.3137083 : f32
      %parallel_loop3A_305 = vector.broadcast %parallel_loop3A_304 : f32 to vector<16xf32>
      %parallel_loop3A_306 = arith.mulf %parallel_loop3A_303, %parallel_loop3A_305 : vector<16xf32>
      %parallel_loop3A_307 = arith.index_cast %parallel_loop3A_275 : i32 to index
      %parallel_loop3A_308 = arith.constant 32 : index
      %parallel_loop3A_309 = tpu.vector_load %arg6[%parallel_loop3A_307, %parallel_loop3A_308] {strides = array<i32>} : memref<512x128xf32, #tpu.memory_space<vmem>>, vector<1x16xf32>,
      %parallel_loop3A_310 = vector.shape_cast %parallel_loop3A_309 : vector<1x16xf32> to vector<16xf32>
      %parallel_loop3A_311 = vector.shape_cast %parallel_loop3A_306 : vector<16xf32> to vector<1x16xf32>
      tpu.vector_store %arg6[%parallel_loop3A_307, %parallel_loop3A_308], %parallel_loop3A_311 {strides = array<i32>} : memref<512x128xf32, #tpu.memory_space<vmem>>, vector<1x16xf32>,
      %parallel_loop3A_312 = arith.index_cast %parallel_loop3A_275 : i32 to index
      %parallel_loop3A_313 = arith.constant 48 : index
      %parallel_loop3A_314 = tpu.vector_load %arg6[%parallel_loop3A_312, %parallel_loop3A_313] {strides = array<i32>} : memref<512x128xf32, #tpu.memory_space<vmem>>, vector<1x16xf32>,
      %parallel_loop3A_315 = vector.shape_cast %parallel_loop3A_314 : vector<1x16xf32> to vector<16xf32>
      %parallel_loop3A_316 = arith.constant 11.3137083 : f32
      %parallel_loop3A_317 = vector.broadcast %parallel_loop3A_316 : f32 to vector<16xf32>
      %parallel_loop3A_318 = arith.mulf %parallel_loop3A_315, %parallel_loop3A_317 : vector<16xf32>
      %parallel_loop3A_319 = arith.index_cast %parallel_loop3A_275 : i32 to index
      %parallel_loop3A_320 = arith.constant 48 : index
      %parallel_loop3A_321 = tpu.vector_load %arg6[%parallel_loop3A_319, %parallel_loop3A_320] {strides = array<i32>} : memref<512x128xf32, #tpu.memory_space<vmem>>, vector<1x16xf32>,
      %parallel_loop3A_322 = vector.shape_cast %parallel_loop3A_321 : vector<1x16xf32> to vector<16xf32>
      %parallel_loop3A_323 = vector.shape_cast %parallel_loop3A_318 : vector<16xf32> to vector<1x16xf32>
      tpu.vector_store %arg6[%parallel_loop3A_319, %parallel_loop3A_320], %parallel_loop3A_323 {strides = array<i32>} : memref<512x128xf32, #tpu.memory_space<vmem>>, vector<1x16xf32>,
      %parallel_loop3A_324 = arith.index_cast %parallel_loop3A_275 : i32 to index
      %parallel_loop3A_325 = arith.constant 64 : index
      %parallel_loop3A_326 = tpu.vector_load %arg6[%parallel_loop3A_324, %parallel_loop3A_325] {strides = array<i32>} : memref<512x128xf32, #tpu.memory_space<vmem>>, vector<1x16xf32>,
      %parallel_loop3A_327 = vector.shape_cast %parallel_loop3A_326 : vector<1x16xf32> to vector<16xf32>
      %parallel_loop3A_328 = arith.constant 11.3137083 : f32
      %parallel_loop3A_329 = vector.broadcast %parallel_loop3A_328 : f32 to vector<16xf32>
      %parallel_loop3A_330 = arith.mulf %parallel_loop3A_327, %parallel_loop3A_329 : vector<16xf32>
      %parallel_loop3A_331 = arith.index_cast %parallel_loop3A_275 : i32 to index
      %parallel_loop3A_332 = arith.constant 64 : index
      %parallel_loop3A_333 = tpu.vector_load %arg6[%parallel_loop3A_331, %parallel_loop3A_332] {strides = array<i32>} : memref<512x128xf32, #tpu.memory_space<vmem>>, vector<1x16xf32>,
      %parallel_loop3A_334 = vector.shape_cast %parallel_loop3A_333 : vector<1x16xf32> to vector<16xf32>
      %parallel_loop3A_335 = vector.shape_cast %parallel_loop3A_330 : vector<16xf32> to vector<1x16xf32>
      tpu.vector_store %arg6[%parallel_loop3A_331, %parallel_loop3A_332], %parallel_loop3A_335 {strides = array<i32>} : memref<512x128xf32, #tpu.memory_space<vmem>>, vector<1x16xf32>,
      %parallel_loop3A_336 = arith.index_cast %parallel_loop3A_275 : i32 to index
      %parallel_loop3A_337 = arith.constant 80 : index
      %parallel_loop3A_338 = tpu.vector_load %arg6[%parallel_loop3A_336, %parallel_loop3A_337] {strides = array<i32>} : memref<512x128xf32, #tpu.memory_space<vmem>>, vector<1x16xf32>,
      %parallel_loop3A_339 = vector.shape_cast %parallel_loop3A_338 : vector<1x16xf32> to vector<16xf32>
      %parallel_loop3A_340 = arith.constant 11.3137083 : f32
      %parallel_loop3A_341 = vector.broadcast %parallel_loop3A_340 : f32 to vector<16xf32>
      %parallel_loop3A_342 = arith.mulf %parallel_loop3A_339, %parallel_loop3A_341 : vector<16xf32>
      %parallel_loop3A_343 = arith.index_cast %parallel_loop3A_275 : i32 to index
      %parallel_loop3A_344 = arith.constant 80 : index
      %parallel_loop3A_345 = tpu.vector_load %arg6[%parallel_loop3A_343, %parallel_loop3A_344] {strides = array<i32>} : memref<512x128xf32, #tpu.memory_space<vmem>>, vector<1x16xf32>,
      %parallel_loop3A_346 = vector.shape_cast %parallel_loop3A_345 : vector<1x16xf32> to vector<16xf32>
      %parallel_loop3A_347 = vector.shape_cast %parallel_loop3A_342 : vector<16xf32> to vector<1x16xf32>
      tpu.vector_store %arg6[%parallel_loop3A_343, %parallel_loop3A_344], %parallel_loop3A_347 {strides = array<i32>} : memref<512x128xf32, #tpu.memory_space<vmem>>, vector<1x16xf32>,
      %parallel_loop3A_348 = arith.index_cast %parallel_loop3A_275 : i32 to index
      %parallel_loop3A_349 = arith.constant 96 : index
      %parallel_loop3A_350 = tpu.vector_load %arg6[%parallel_loop3A_348, %parallel_loop3A_349] {strides = array<i32>} : memref<512x128xf32, #tpu.memory_space<vmem>>, vector<1x16xf32>,
      %parallel_loop3A_351 = vector.shape_cast %parallel_loop3A_350 : vector<1x16xf32> to vector<16xf32>
      %parallel_loop3A_352 = arith.constant 11.3137083 : f32
      %parallel_loop3A_353 = vector.broadcast %parallel_loop3A_352 : f32 to vector<16xf32>
      %parallel_loop3A_354 = arith.mulf %parallel_loop3A_351, %parallel_loop3A_353 : vector<16xf32>
      %parallel_loop3A_355 = arith.index_cast %parallel_loop3A_275 : i32 to index
      %parallel_loop3A_356 = arith.constant 96 : index
      %parallel_loop3A_357 = tpu.vector_load %arg6[%parallel_loop3A_355, %parallel_loop3A_356] {strides = array<i32>} : memref<512x128xf32, #tpu.memory_space<vmem>>, vector<1x16xf32>,
      %parallel_loop3A_358 = vector.shape_cast %parallel_loop3A_357 : vector<1x16xf32> to vector<16xf32>
      %parallel_loop3A_359 = vector.shape_cast %parallel_loop3A_354 : vector<16xf32> to vector<1x16xf32>
      tpu.vector_store %arg6[%parallel_loop3A_355, %parallel_loop3A_356], %parallel_loop3A_359 {strides = array<i32>} : memref<512x128xf32, #tpu.memory_space<vmem>>, vector<1x16xf32>,
      %parallel_loop3A_360 = arith.index_cast %parallel_loop3A_275 : i32 to index
      %parallel_loop3A_361 = arith.constant 112 : index
      %parallel_loop3A_362 = tpu.vector_load %arg6[%parallel_loop3A_360, %parallel_loop3A_361] {strides = array<i32>} : memref<512x128xf32, #tpu.memory_space<vmem>>, vector<1x16xf32>,
      %parallel_loop3A_363 = vector.shape_cast %parallel_loop3A_362 : vector<1x16xf32> to vector<16xf32>
      %parallel_loop3A_364 = arith.constant 11.3137083 : f32
      %parallel_loop3A_365 = vector.broadcast %parallel_loop3A_364 : f32 to vector<16xf32>
      %parallel_loop3A_366 = arith.mulf %parallel_loop3A_363, %parallel_loop3A_365 : vector<16xf32>
      %parallel_loop3A_367 = arith.index_cast %parallel_loop3A_275 : i32 to index
      %parallel_loop3A_368 = arith.constant 112 : index
      %parallel_loop3A_369 = tpu.vector_load %arg6[%parallel_loop3A_367, %parallel_loop3A_368] {strides = array<i32>} : memref<512x128xf32, #tpu.memory_space<vmem>>, vector<1x16xf32>,
      %parallel_loop3A_370 = vector.shape_cast %parallel_loop3A_369 : vector<1x16xf32> to vector<16xf32>
      %parallel_loop3A_371 = vector.shape_cast %parallel_loop3A_366 : vector<16xf32> to vector<1x16xf32>
      tpu.vector_store %arg6[%parallel_loop3A_367, %parallel_loop3A_368], %parallel_loop3A_371 {strides = array<i32>} : memref<512x128xf32, #tpu.memory_space<vmem>>, vector<1x16xf32>,
    } {sc.loop_unroll_factor = 4 : i64, sc.parallel_access}
    %add3A_127 = arith.constant 216 : i32
    %add3A_128 = arith.addi %mul3A_2, %add3A_127 : i32
    %dma_start3A_129 = arith.constant 2 : i32
    %dma_start3A_130 = arith.constant 216 : i32
    %dma_start3A_131 = arith.constant 0 : i32
    %dma_start3A_132 = tpu.memref_slice %arg6[%dma_start3A_130, %dma_start3A_131] : memref<512x128xf32, #tpu.memory_space<vmem>> -> memref<104x128xf32, #tpu.memory_space<vmem>>
    %dma_start3A_133 = arith.constant 0 : i32
    %dma_start3A_134 = tpu.memref_slice %arg4[%add3A_128, %dma_start3A_133] : memref<16384x128xf32, #tpu.memory_space<hbm>> -> memref<104x128xf32, #tpu.memory_space<hbm>>
    %dma_start3A_135 = tpu.memref_slice %arg8[%dma_start3A_129] : memref<5x!tpu.dma_semaphore, #tpu.memory_space<semaphore_mem>> -> memref<1x!tpu.dma_semaphore, #tpu.memory_space<semaphore_mem>>
    %dma_start3A_136 = tpu.memref_squeeze %dma_start3A_135 : memref<1x!tpu.dma_semaphore, #tpu.memory_space<semaphore_mem>> -> memref<!tpu.dma_semaphore, #tpu.memory_space<semaphore_mem>>
    %dma_start3A_137 = arith.constant 0 : i32
    %dma_start3A_138 = tpu.memref_slice %arg4[%add3A_128, %dma_start3A_137] : memref<16384x128xf32, #tpu.memory_space<hbm>> -> memref<104x128xf32, #tpu.memory_space<hbm>>
    %dma_start3A_139 = arith.constant 216 : i32
    %dma_start3A_140 = arith.constant 0 : i32
    %dma_start3A_141 = tpu.memref_slice %arg6[%dma_start3A_139, %dma_start3A_140] : memref<512x128xf32, #tpu.memory_space<vmem>> -> memref<104x128xf32, #tpu.memory_space<vmem>>
    tpu.enqueue_dma source(%dma_start3A_141 : memref<104x128xf32, #tpu.memory_space<vmem>>) target(%dma_start3A_138 : memref<104x128xf32, #tpu.memory_space<hbm>>) target_semaphore(%dma_start3A_136 : memref<!tpu.dma_semaphore, #tpu.memory_space<semaphore_mem>>)
    %dma_wait3A_142 = arith.constant 3 : i32
    %dma_wait3A_143 = arith.constant 320 : i32
    %dma_wait3A_144 = arith.constant 0 : i32
    %dma_wait3A_145 = tpu.memref_slice %arg6[%dma_wait3A_143, %dma_wait3A_144] : memref<512x128xf32, #tpu.memory_space<vmem>> -> memref<96x128xf32, #tpu.memory_space<vmem>>
    %dma_wait3A_146 = arith.constant 320 : i32
    %dma_wait3A_147 = tpu.memref_slice %arg5[%dma_wait3A_146] : memref<512xi32, #tpu.memory_space<vmem>> -> memref<96xi32, #tpu.memory_space<vmem>>
    %dma_wait3A_148 = arith.constant 0 : i32
    %dma_wait3A_149 = arith.constant 0 : i32
    %dma_wait3A_150 = tpu.memref_slice %arg3[%dma_wait3A_148, %dma_wait3A_149] : memref<100000x128xf32, #tpu.memory_space<hbm>> -> memref<100000x128xf32, #tpu.memory_space<hbm>>
    %dma_wait3A_151 = tpu.memref_slice %arg7[%dma_wait3A_142] : memref<5x!tpu.dma_semaphore, #tpu.memory_space<semaphore_mem>> -> memref<1x!tpu.dma_semaphore, #tpu.memory_space<semaphore_mem>>
    %dma_wait3A_152 = tpu.memref_squeeze %dma_wait3A_151 : memref<1x!tpu.dma_semaphore, #tpu.memory_space<semaphore_mem>> -> memref<!tpu.dma_semaphore, #tpu.memory_space<semaphore_mem>>
    tpu.wait_indirect_dma semaphore(%dma_wait3A_152 : memref<!tpu.dma_semaphore, #tpu.memory_space<semaphore_mem>>) src(%dma_wait3A_150 : memref<100000x128xf32, #tpu.memory_space<hbm>>) dst(%dma_wait3A_145 : memref<96x128xf32, #tpu.memory_space<vmem>>)
    %parallel_loop3A_153 = arith.constant 320 : i32
    %parallel_loop3A_154 = arith.constant 416 : i32
    %parallel_loop3A_155 = arith.constant 1 : i32
    scf.for %parallel_loop3A_275 = %parallel_loop3A_153 to %parallel_loop3A_154 step %parallel_loop3A_155  : i32 {
      %parallel_loop3A_276 = arith.index_cast %parallel_loop3A_275 : i32 to index
      %parallel_loop3A_277 = arith.constant 0 : index
      %parallel_loop3A_278 = tpu.vector_load %arg6[%parallel_loop3A_276, %parallel_loop3A_277] {strides = array<i32>} : memref<512x128xf32, #tpu.memory_space<vmem>>, vector<1x16xf32>,
      %parallel_loop3A_279 = vector.shape_cast %parallel_loop3A_278 : vector<1x16xf32> to vector<16xf32>
      %parallel_loop3A_280 = arith.constant 11.3137083 : f32
      %parallel_loop3A_281 = vector.broadcast %parallel_loop3A_280 : f32 to vector<16xf32>
      %parallel_loop3A_282 = arith.mulf %parallel_loop3A_279, %parallel_loop3A_281 : vector<16xf32>
      %parallel_loop3A_283 = arith.index_cast %parallel_loop3A_275 : i32 to index
      %parallel_loop3A_284 = arith.constant 0 : index
      %parallel_loop3A_285 = tpu.vector_load %arg6[%parallel_loop3A_283, %parallel_loop3A_284] {strides = array<i32>} : memref<512x128xf32, #tpu.memory_space<vmem>>, vector<1x16xf32>,
      %parallel_loop3A_286 = vector.shape_cast %parallel_loop3A_285 : vector<1x16xf32> to vector<16xf32>
      %parallel_loop3A_287 = vector.shape_cast %parallel_loop3A_282 : vector<16xf32> to vector<1x16xf32>
      tpu.vector_store %arg6[%parallel_loop3A_283, %parallel_loop3A_284], %parallel_loop3A_287 {strides = array<i32>} : memref<512x128xf32, #tpu.memory_space<vmem>>, vector<1x16xf32>,
      %parallel_loop3A_288 = arith.index_cast %parallel_loop3A_275 : i32 to index
      %parallel_loop3A_289 = arith.constant 16 : index
      %parallel_loop3A_290 = tpu.vector_load %arg6[%parallel_loop3A_288, %parallel_loop3A_289] {strides = array<i32>} : memref<512x128xf32, #tpu.memory_space<vmem>>, vector<1x16xf32>,
      %parallel_loop3A_291 = vector.shape_cast %parallel_loop3A_290 : vector<1x16xf32> to vector<16xf32>
      %parallel_loop3A_292 = arith.constant 11.3137083 : f32
      %parallel_loop3A_293 = vector.broadcast %parallel_loop3A_292 : f32 to vector<16xf32>
      %parallel_loop3A_294 = arith.mulf %parallel_loop3A_291, %parallel_loop3A_293 : vector<16xf32>
      %parallel_loop3A_295 = arith.index_cast %parallel_loop3A_275 : i32 to index
      %parallel_loop3A_296 = arith.constant 16 : index
      %parallel_loop3A_297 = tpu.vector_load %arg6[%parallel_loop3A_295, %parallel_loop3A_296] {strides = array<i32>} : memref<512x128xf32, #tpu.memory_space<vmem>>, vector<1x16xf32>,
      %parallel_loop3A_298 = vector.shape_cast %parallel_loop3A_297 : vector<1x16xf32> to vector<16xf32>
      %parallel_loop3A_299 = vector.shape_cast %parallel_loop3A_294 : vector<16xf32> to vector<1x16xf32>
      tpu.vector_store %arg6[%parallel_loop3A_295, %parallel_loop3A_296], %parallel_loop3A_299 {strides = array<i32>} : memref<512x128xf32, #tpu.memory_space<vmem>>, vector<1x16xf32>,
      %parallel_loop3A_300 = arith.index_cast %parallel_loop3A_275 : i32 to index
      %parallel_loop3A_301 = arith.constant 32 : index
      %parallel_loop3A_302 = tpu.vector_load %arg6[%parallel_loop3A_300, %parallel_loop3A_301] {strides = array<i32>} : memref<512x128xf32, #tpu.memory_space<vmem>>, vector<1x16xf32>,
      %parallel_loop3A_303 = vector.shape_cast %parallel_loop3A_302 : vector<1x16xf32> to vector<16xf32>
      %parallel_loop3A_304 = arith.constant 11.3137083 : f32
      %parallel_loop3A_305 = vector.broadcast %parallel_loop3A_304 : f32 to vector<16xf32>
      %parallel_loop3A_306 = arith.mulf %parallel_loop3A_303, %parallel_loop3A_305 : vector<16xf32>
      %parallel_loop3A_307 = arith.index_cast %parallel_loop3A_275 : i32 to index
      %parallel_loop3A_308 = arith.constant 32 : index
      %parallel_loop3A_309 = tpu.vector_load %arg6[%parallel_loop3A_307, %parallel_loop3A_308] {strides = array<i32>} : memref<512x128xf32, #tpu.memory_space<vmem>>, vector<1x16xf32>,
      %parallel_loop3A_310 = vector.shape_cast %parallel_loop3A_309 : vector<1x16xf32> to vector<16xf32>
      %parallel_loop3A_311 = vector.shape_cast %parallel_loop3A_306 : vector<16xf32> to vector<1x16xf32>
      tpu.vector_store %arg6[%parallel_loop3A_307, %parallel_loop3A_308], %parallel_loop3A_311 {strides = array<i32>} : memref<512x128xf32, #tpu.memory_space<vmem>>, vector<1x16xf32>,
      %parallel_loop3A_312 = arith.index_cast %parallel_loop3A_275 : i32 to index
      %parallel_loop3A_313 = arith.constant 48 : index
      %parallel_loop3A_314 = tpu.vector_load %arg6[%parallel_loop3A_312, %parallel_loop3A_313] {strides = array<i32>} : memref<512x128xf32, #tpu.memory_space<vmem>>, vector<1x16xf32>,
      %parallel_loop3A_315 = vector.shape_cast %parallel_loop3A_314 : vector<1x16xf32> to vector<16xf32>
      %parallel_loop3A_316 = arith.constant 11.3137083 : f32
      %parallel_loop3A_317 = vector.broadcast %parallel_loop3A_316 : f32 to vector<16xf32>
      %parallel_loop3A_318 = arith.mulf %parallel_loop3A_315, %parallel_loop3A_317 : vector<16xf32>
      %parallel_loop3A_319 = arith.index_cast %parallel_loop3A_275 : i32 to index
      %parallel_loop3A_320 = arith.constant 48 : index
      %parallel_loop3A_321 = tpu.vector_load %arg6[%parallel_loop3A_319, %parallel_loop3A_320] {strides = array<i32>} : memref<512x128xf32, #tpu.memory_space<vmem>>, vector<1x16xf32>,
      %parallel_loop3A_322 = vector.shape_cast %parallel_loop3A_321 : vector<1x16xf32> to vector<16xf32>
      %parallel_loop3A_323 = vector.shape_cast %parallel_loop3A_318 : vector<16xf32> to vector<1x16xf32>
      tpu.vector_store %arg6[%parallel_loop3A_319, %parallel_loop3A_320], %parallel_loop3A_323 {strides = array<i32>} : memref<512x128xf32, #tpu.memory_space<vmem>>, vector<1x16xf32>,
      %parallel_loop3A_324 = arith.index_cast %parallel_loop3A_275 : i32 to index
      %parallel_loop3A_325 = arith.constant 64 : index
      %parallel_loop3A_326 = tpu.vector_load %arg6[%parallel_loop3A_324, %parallel_loop3A_325] {strides = array<i32>} : memref<512x128xf32, #tpu.memory_space<vmem>>, vector<1x16xf32>,
      %parallel_loop3A_327 = vector.shape_cast %parallel_loop3A_326 : vector<1x16xf32> to vector<16xf32>
      %parallel_loop3A_328 = arith.constant 11.3137083 : f32
      %parallel_loop3A_329 = vector.broadcast %parallel_loop3A_328 : f32 to vector<16xf32>
      %parallel_loop3A_330 = arith.mulf %parallel_loop3A_327, %parallel_loop3A_329 : vector<16xf32>
      %parallel_loop3A_331 = arith.index_cast %parallel_loop3A_275 : i32 to index
      %parallel_loop3A_332 = arith.constant 64 : index
      %parallel_loop3A_333 = tpu.vector_load %arg6[%parallel_loop3A_331, %parallel_loop3A_332] {strides = array<i32>} : memref<512x128xf32, #tpu.memory_space<vmem>>, vector<1x16xf32>,
      %parallel_loop3A_334 = vector.shape_cast %parallel_loop3A_333 : vector<1x16xf32> to vector<16xf32>
      %parallel_loop3A_335 = vector.shape_cast %parallel_loop3A_330 : vector<16xf32> to vector<1x16xf32>
      tpu.vector_store %arg6[%parallel_loop3A_331, %parallel_loop3A_332], %parallel_loop3A_335 {strides = array<i32>} : memref<512x128xf32, #tpu.memory_space<vmem>>, vector<1x16xf32>,
      %parallel_loop3A_336 = arith.index_cast %parallel_loop3A_275 : i32 to index
      %parallel_loop3A_337 = arith.constant 80 : index
      %parallel_loop3A_338 = tpu.vector_load %arg6[%parallel_loop3A_336, %parallel_loop3A_337] {strides = array<i32>} : memref<512x128xf32, #tpu.memory_space<vmem>>, vector<1x16xf32>,
      %parallel_loop3A_339 = vector.shape_cast %parallel_loop3A_338 : vector<1x16xf32> to vector<16xf32>
      %parallel_loop3A_340 = arith.constant 11.3137083 : f32
      %parallel_loop3A_341 = vector.broadcast %parallel_loop3A_340 : f32 to vector<16xf32>
      %parallel_loop3A_342 = arith.mulf %parallel_loop3A_339, %parallel_loop3A_341 : vector<16xf32>
      %parallel_loop3A_343 = arith.index_cast %parallel_loop3A_275 : i32 to index
      %parallel_loop3A_344 = arith.constant 80 : index
      %parallel_loop3A_345 = tpu.vector_load %arg6[%parallel_loop3A_343, %parallel_loop3A_344] {strides = array<i32>} : memref<512x128xf32, #tpu.memory_space<vmem>>, vector<1x16xf32>,
      %parallel_loop3A_346 = vector.shape_cast %parallel_loop3A_345 : vector<1x16xf32> to vector<16xf32>
      %parallel_loop3A_347 = vector.shape_cast %parallel_loop3A_342 : vector<16xf32> to vector<1x16xf32>
      tpu.vector_store %arg6[%parallel_loop3A_343, %parallel_loop3A_344], %parallel_loop3A_347 {strides = array<i32>} : memref<512x128xf32, #tpu.memory_space<vmem>>, vector<1x16xf32>,
      %parallel_loop3A_348 = arith.index_cast %parallel_loop3A_275 : i32 to index
      %parallel_loop3A_349 = arith.constant 96 : index
      %parallel_loop3A_350 = tpu.vector_load %arg6[%parallel_loop3A_348, %parallel_loop3A_349] {strides = array<i32>} : memref<512x128xf32, #tpu.memory_space<vmem>>, vector<1x16xf32>,
      %parallel_loop3A_351 = vector.shape_cast %parallel_loop3A_350 : vector<1x16xf32> to vector<16xf32>
      %parallel_loop3A_352 = arith.constant 11.3137083 : f32
      %parallel_loop3A_353 = vector.broadcast %parallel_loop3A_352 : f32 to vector<16xf32>
      %parallel_loop3A_354 = arith.mulf %parallel_loop3A_351, %parallel_loop3A_353 : vector<16xf32>
      %parallel_loop3A_355 = arith.index_cast %parallel_loop3A_275 : i32 to index
      %parallel_loop3A_356 = arith.constant 96 : index
      %parallel_loop3A_357 = tpu.vector_load %arg6[%parallel_loop3A_355, %parallel_loop3A_356] {strides = array<i32>} : memref<512x128xf32, #tpu.memory_space<vmem>>, vector<1x16xf32>,
      %parallel_loop3A_358 = vector.shape_cast %parallel_loop3A_357 : vector<1x16xf32> to vector<16xf32>
      %parallel_loop3A_359 = vector.shape_cast %parallel_loop3A_354 : vector<16xf32> to vector<1x16xf32>
      tpu.vector_store %arg6[%parallel_loop3A_355, %parallel_loop3A_356], %parallel_loop3A_359 {strides = array<i32>} : memref<512x128xf32, #tpu.memory_space<vmem>>, vector<1x16xf32>,
      %parallel_loop3A_360 = arith.index_cast %parallel_loop3A_275 : i32 to index
      %parallel_loop3A_361 = arith.constant 112 : index
      %parallel_loop3A_362 = tpu.vector_load %arg6[%parallel_loop3A_360, %parallel_loop3A_361] {strides = array<i32>} : memref<512x128xf32, #tpu.memory_space<vmem>>, vector<1x16xf32>,
      %parallel_loop3A_363 = vector.shape_cast %parallel_loop3A_362 : vector<1x16xf32> to vector<16xf32>
      %parallel_loop3A_364 = arith.constant 11.3137083 : f32
      %parallel_loop3A_365 = vector.broadcast %parallel_loop3A_364 : f32 to vector<16xf32>
      %parallel_loop3A_366 = arith.mulf %parallel_loop3A_363, %parallel_loop3A_365 : vector<16xf32>
      %parallel_loop3A_367 = arith.index_cast %parallel_loop3A_275 : i32 to index
      %parallel_loop3A_368 = arith.constant 112 : index
      %parallel_loop3A_369 = tpu.vector_load %arg6[%parallel_loop3A_367, %parallel_loop3A_368] {strides = array<i32>} : memref<512x128xf32, #tpu.memory_space<vmem>>, vector<1x16xf32>,
      %parallel_loop3A_370 = vector.shape_cast %parallel_loop3A_369 : vector<1x16xf32> to vector<16xf32>
      %parallel_loop3A_371 = vector.shape_cast %parallel_loop3A_366 : vector<16xf32> to vector<1x16xf32>
      tpu.vector_store %arg6[%parallel_loop3A_367, %parallel_loop3A_368], %parallel_loop3A_371 {strides = array<i32>} : memref<512x128xf32, #tpu.memory_space<vmem>>, vector<1x16xf32>,
    } {sc.loop_unroll_factor = 4 : i64, sc.parallel_access}
    %add3A_156 = arith.constant 320 : i32
    %add3A_157 = arith.addi %mul3A_2, %add3A_156 : i32
    %dma_start3A_158 = arith.constant 3 : i32
    %dma_start3A_159 = arith.constant 320 : i32
    %dma_start3A_160 = arith.constant 0 : i32
    %dma_start3A_161 = tpu.memref_slice %arg6[%dma_start3A_159, %dma_start3A_160] : memref<512x128xf32, #tpu.memory_space<vmem>> -> memref<96x128xf32, #tpu.memory_space<vmem>>
    %dma_start3A_162 = arith.constant 0 : i32
    %dma_start3A_163 = tpu.memref_slice %arg4[%add3A_157, %dma_start3A_162] : memref<16384x128xf32, #tpu.memory_space<hbm>> -> memref<96x128xf32, #tpu.memory_space<hbm>>
    %dma_start3A_164 = tpu.memref_slice %arg8[%dma_start3A_158] : memref<5x!tpu.dma_semaphore, #tpu.memory_space<semaphore_mem>> -> memref<1x!tpu.dma_semaphore, #tpu.memory_space<semaphore_mem>>
    %dma_start3A_165 = tpu.memref_squeeze %dma_start3A_164 : memref<1x!tpu.dma_semaphore, #tpu.memory_space<semaphore_mem>> -> memref<!tpu.dma_semaphore, #tpu.memory_space<semaphore_mem>>
    %dma_start3A_166 = arith.constant 0 : i32
    %dma_start3A_167 = tpu.memref_slice %arg4[%add3A_157, %dma_start3A_166] : memref<16384x128xf32, #tpu.memory_space<hbm>> -> memref<96x128xf32, #tpu.memory_space<hbm>>
    %dma_start3A_168 = arith.constant 320 : i32
    %dma_start3A_169 = arith.constant 0 : i32
    %dma_start3A_170 = tpu.memref_slice %arg6[%dma_start3A_168, %dma_start3A_169] : memref<512x128xf32, #tpu.memory_space<vmem>> -> memref<96x128xf32, #tpu.memory_space<vmem>>
    tpu.enqueue_dma source(%dma_start3A_170 : memref<96x128xf32, #tpu.memory_space<vmem>>) target(%dma_start3A_167 : memref<96x128xf32, #tpu.memory_space<hbm>>) target_semaphore(%dma_start3A_165 : memref<!tpu.dma_semaphore, #tpu.memory_space<semaphore_mem>>)
    %dma_wait3A_171 = arith.constant 4 : i32
    %dma_wait3A_172 = arith.constant 416 : i32
    %dma_wait3A_173 = arith.constant 0 : i32
    %dma_wait3A_174 = tpu.memref_slice %arg6[%dma_wait3A_172, %dma_wait3A_173] : memref<512x128xf32, #tpu.memory_space<vmem>> -> memref<96x128xf32, #tpu.memory_space<vmem>>
    %dma_wait3A_175 = arith.constant 416 : i32
    %dma_wait3A_176 = tpu.memref_slice %arg5[%dma_wait3A_175] : memref<512xi32, #tpu.memory_space<vmem>> -> memref<96xi32, #tpu.memory_space<vmem>>
    %dma_wait3A_177 = arith.constant 0 : i32
    %dma_wait3A_178 = arith.constant 0 : i32
    %dma_wait3A_179 = tpu.memref_slice %arg3[%dma_wait3A_177, %dma_wait3A_178] : memref<100000x128xf32, #tpu.memory_space<hbm>> -> memref<100000x128xf32, #tpu.memory_space<hbm>>
    %dma_wait3A_180 = tpu.memref_slice %arg7[%dma_wait3A_171] : memref<5x!tpu.dma_semaphore, #tpu.memory_space<semaphore_mem>> -> memref<1x!tpu.dma_semaphore, #tpu.memory_space<semaphore_mem>>
    %dma_wait3A_181 = tpu.memref_squeeze %dma_wait3A_180 : memref<1x!tpu.dma_semaphore, #tpu.memory_space<semaphore_mem>> -> memref<!tpu.dma_semaphore, #tpu.memory_space<semaphore_mem>>
    tpu.wait_indirect_dma semaphore(%dma_wait3A_181 : memref<!tpu.dma_semaphore, #tpu.memory_space<semaphore_mem>>) src(%dma_wait3A_179 : memref<100000x128xf32, #tpu.memory_space<hbm>>) dst(%dma_wait3A_174 : memref<96x128xf32, #tpu.memory_space<vmem>>)
    %parallel_loop3A_182 = arith.constant 416 : i32
    %parallel_loop3A_183 = arith.constant 512 : i32
    %parallel_loop3A_184 = arith.constant 1 : i32
    scf.for %parallel_loop3A_275 = %parallel_loop3A_182 to %parallel_loop3A_183 step %parallel_loop3A_184  : i32 {
      %parallel_loop3A_276 = arith.index_cast %parallel_loop3A_275 : i32 to index
      %parallel_loop3A_277 = arith.constant 0 : index
      %parallel_loop3A_278 = tpu.vector_load %arg6[%parallel_loop3A_276, %parallel_loop3A_277] {strides = array<i32>} : memref<512x128xf32, #tpu.memory_space<vmem>>, vector<1x16xf32>,
      %parallel_loop3A_279 = vector.shape_cast %parallel_loop3A_278 : vector<1x16xf32> to vector<16xf32>
      %parallel_loop3A_280 = arith.constant 11.3137083 : f32
      %parallel_loop3A_281 = vector.broadcast %parallel_loop3A_280 : f32 to vector<16xf32>
      %parallel_loop3A_282 = arith.mulf %parallel_loop3A_279, %parallel_loop3A_281 : vector<16xf32>
      %parallel_loop3A_283 = arith.index_cast %parallel_loop3A_275 : i32 to index
      %parallel_loop3A_284 = arith.constant 0 : index
      %parallel_loop3A_285 = tpu.vector_load %arg6[%parallel_loop3A_283, %parallel_loop3A_284] {strides = array<i32>} : memref<512x128xf32, #tpu.memory_space<vmem>>, vector<1x16xf32>,
      %parallel_loop3A_286 = vector.shape_cast %parallel_loop3A_285 : vector<1x16xf32> to vector<16xf32>
      %parallel_loop3A_287 = vector.shape_cast %parallel_loop3A_282 : vector<16xf32> to vector<1x16xf32>
      tpu.vector_store %arg6[%parallel_loop3A_283, %parallel_loop3A_284], %parallel_loop3A_287 {strides = array<i32>} : memref<512x128xf32, #tpu.memory_space<vmem>>, vector<1x16xf32>,
      %parallel_loop3A_288 = arith.index_cast %parallel_loop3A_275 : i32 to index
      %parallel_loop3A_289 = arith.constant 16 : index
      %parallel_loop3A_290 = tpu.vector_load %arg6[%parallel_loop3A_288, %parallel_loop3A_289] {strides = array<i32>} : memref<512x128xf32, #tpu.memory_space<vmem>>, vector<1x16xf32>,
      %parallel_loop3A_291 = vector.shape_cast %parallel_loop3A_290 : vector<1x16xf32> to vector<16xf32>
      %parallel_loop3A_292 = arith.constant 11.3137083 : f32
      %parallel_loop3A_293 = vector.broadcast %parallel_loop3A_292 : f32 to vector<16xf32>
      %parallel_loop3A_294 = arith.mulf %parallel_loop3A_291, %parallel_loop3A_293 : vector<16xf32>
      %parallel_loop3A_295 = arith.index_cast %parallel_loop3A_275 : i32 to index
      %parallel_loop3A_296 = arith.constant 16 : index
      %parallel_loop3A_297 = tpu.vector_load %arg6[%parallel_loop3A_295, %parallel_loop3A_296] {strides = array<i32>} : memref<512x128xf32, #tpu.memory_space<vmem>>, vector<1x16xf32>,
      %parallel_loop3A_298 = vector.shape_cast %parallel_loop3A_297 : vector<1x16xf32> to vector<16xf32>
      %parallel_loop3A_299 = vector.shape_cast %parallel_loop3A_294 : vector<16xf32> to vector<1x16xf32>
      tpu.vector_store %arg6[%parallel_loop3A_295, %parallel_loop3A_296], %parallel_loop3A_299 {strides = array<i32>} : memref<512x128xf32, #tpu.memory_space<vmem>>, vector<1x16xf32>,
      %parallel_loop3A_300 = arith.index_cast %parallel_loop3A_275 : i32 to index
      %parallel_loop3A_301 = arith.constant 32 : index
      %parallel_loop3A_302 = tpu.vector_load %arg6[%parallel_loop3A_300, %parallel_loop3A_301] {strides = array<i32>} : memref<512x128xf32, #tpu.memory_space<vmem>>, vector<1x16xf32>,
      %parallel_loop3A_303 = vector.shape_cast %parallel_loop3A_302 : vector<1x16xf32> to vector<16xf32>
      %parallel_loop3A_304 = arith.constant 11.3137083 : f32
      %parallel_loop3A_305 = vector.broadcast %parallel_loop3A_304 : f32 to vector<16xf32>
      %parallel_loop3A_306 = arith.mulf %parallel_loop3A_303, %parallel_loop3A_305 : vector<16xf32>
      %parallel_loop3A_307 = arith.index_cast %parallel_loop3A_275 : i32 to index
      %parallel_loop3A_308 = arith.constant 32 : index
      %parallel_loop3A_309 = tpu.vector_load %arg6[%parallel_loop3A_307, %parallel_loop3A_308] {strides = array<i32>} : memref<512x128xf32, #tpu.memory_space<vmem>>, vector<1x16xf32>,
      %parallel_loop3A_310 = vector.shape_cast %parallel_loop3A_309 : vector<1x16xf32> to vector<16xf32>
      %parallel_loop3A_311 = vector.shape_cast %parallel_loop3A_306 : vector<16xf32> to vector<1x16xf32>
      tpu.vector_store %arg6[%parallel_loop3A_307, %parallel_loop3A_308], %parallel_loop3A_311 {strides = array<i32>} : memref<512x128xf32, #tpu.memory_space<vmem>>, vector<1x16xf32>,
      %parallel_loop3A_312 = arith.index_cast %parallel_loop3A_275 : i32 to index
      %parallel_loop3A_313 = arith.constant 48 : index
      %parallel_loop3A_314 = tpu.vector_load %arg6[%parallel_loop3A_312, %parallel_loop3A_313] {strides = array<i32>} : memref<512x128xf32, #tpu.memory_space<vmem>>, vector<1x16xf32>,
      %parallel_loop3A_315 = vector.shape_cast %parallel_loop3A_314 : vector<1x16xf32> to vector<16xf32>
      %parallel_loop3A_316 = arith.constant 11.3137083 : f32
      %parallel_loop3A_317 = vector.broadcast %parallel_loop3A_316 : f32 to vector<16xf32>
      %parallel_loop3A_318 = arith.mulf %parallel_loop3A_315, %parallel_loop3A_317 : vector<16xf32>
      %parallel_loop3A_319 = arith.index_cast %parallel_loop3A_275 : i32 to index
      %parallel_loop3A_320 = arith.constant 48 : index
      %parallel_loop3A_321 = tpu.vector_load %arg6[%parallel_loop3A_319, %parallel_loop3A_320] {strides = array<i32>} : memref<512x128xf32, #tpu.memory_space<vmem>>, vector<1x16xf32>,
      %parallel_loop3A_322 = vector.shape_cast %parallel_loop3A_321 : vector<1x16xf32> to vector<16xf32>
      %parallel_loop3A_323 = vector.shape_cast %parallel_loop3A_318 : vector<16xf32> to vector<1x16xf32>
      tpu.vector_store %arg6[%parallel_loop3A_319, %parallel_loop3A_320], %parallel_loop3A_323 {strides = array<i32>} : memref<512x128xf32, #tpu.memory_space<vmem>>, vector<1x16xf32>,
      %parallel_loop3A_324 = arith.index_cast %parallel_loop3A_275 : i32 to index
      %parallel_loop3A_325 = arith.constant 64 : index
      %parallel_loop3A_326 = tpu.vector_load %arg6[%parallel_loop3A_324, %parallel_loop3A_325] {strides = array<i32>} : memref<512x128xf32, #tpu.memory_space<vmem>>, vector<1x16xf32>,
      %parallel_loop3A_327 = vector.shape_cast %parallel_loop3A_326 : vector<1x16xf32> to vector<16xf32>
      %parallel_loop3A_328 = arith.constant 11.3137083 : f32
      %parallel_loop3A_329 = vector.broadcast %parallel_loop3A_328 : f32 to vector<16xf32>
      %parallel_loop3A_330 = arith.mulf %parallel_loop3A_327, %parallel_loop3A_329 : vector<16xf32>
      %parallel_loop3A_331 = arith.index_cast %parallel_loop3A_275 : i32 to index
      %parallel_loop3A_332 = arith.constant 64 : index
      %parallel_loop3A_333 = tpu.vector_load %arg6[%parallel_loop3A_331, %parallel_loop3A_332] {strides = array<i32>} : memref<512x128xf32, #tpu.memory_space<vmem>>, vector<1x16xf32>,
      %parallel_loop3A_334 = vector.shape_cast %parallel_loop3A_333 : vector<1x16xf32> to vector<16xf32>
      %parallel_loop3A_335 = vector.shape_cast %parallel_loop3A_330 : vector<16xf32> to vector<1x16xf32>
      tpu.vector_store %arg6[%parallel_loop3A_331, %parallel_loop3A_332], %parallel_loop3A_335 {strides = array<i32>} : memref<512x128xf32, #tpu.memory_space<vmem>>, vector<1x16xf32>,
      %parallel_loop3A_336 = arith.index_cast %parallel_loop3A_275 : i32 to index
      %parallel_loop3A_337 = arith.constant 80 : index
      %parallel_loop3A_338 = tpu.vector_load %arg6[%parallel_loop3A_336, %parallel_loop3A_337] {strides = array<i32>} : memref<512x128xf32, #tpu.memory_space<vmem>>, vector<1x16xf32>,
      %parallel_loop3A_339 = vector.shape_cast %parallel_loop3A_338 : vector<1x16xf32> to vector<16xf32>
      %parallel_loop3A_340 = arith.constant 11.3137083 : f32
      %parallel_loop3A_341 = vector.broadcast %parallel_loop3A_340 : f32 to vector<16xf32>
      %parallel_loop3A_342 = arith.mulf %parallel_loop3A_339, %parallel_loop3A_341 : vector<16xf32>
      %parallel_loop3A_343 = arith.index_cast %parallel_loop3A_275 : i32 to index
      %parallel_loop3A_344 = arith.constant 80 : index
      %parallel_loop3A_345 = tpu.vector_load %arg6[%parallel_loop3A_343, %parallel_loop3A_344] {strides = array<i32>} : memref<512x128xf32, #tpu.memory_space<vmem>>, vector<1x16xf32>,
      %parallel_loop3A_346 = vector.shape_cast %parallel_loop3A_345 : vector<1x16xf32> to vector<16xf32>
      %parallel_loop3A_347 = vector.shape_cast %parallel_loop3A_342 : vector<16xf32> to vector<1x16xf32>
      tpu.vector_store %arg6[%parallel_loop3A_343, %parallel_loop3A_344], %parallel_loop3A_347 {strides = array<i32>} : memref<512x128xf32, #tpu.memory_space<vmem>>, vector<1x16xf32>,
      %parallel_loop3A_348 = arith.index_cast %parallel_loop3A_275 : i32 to index
      %parallel_loop3A_349 = arith.constant 96 : index
      %parallel_loop3A_350 = tpu.vector_load %arg6[%parallel_loop3A_348, %parallel_loop3A_349] {strides = array<i32>} : memref<512x128xf32, #tpu.memory_space<vmem>>, vector<1x16xf32>,
      %parallel_loop3A_351 = vector.shape_cast %parallel_loop3A_350 : vector<1x16xf32> to vector<16xf32>
      %parallel_loop3A_352 = arith.constant 11.3137083 : f32
      %parallel_loop3A_353 = vector.broadcast %parallel_loop3A_352 : f32 to vector<16xf32>
      %parallel_loop3A_354 = arith.mulf %parallel_loop3A_351, %parallel_loop3A_353 : vector<16xf32>
      %parallel_loop3A_355 = arith.index_cast %parallel_loop3A_275 : i32 to index
      %parallel_loop3A_356 = arith.constant 96 : index
      %parallel_loop3A_357 = tpu.vector_load %arg6[%parallel_loop3A_355, %parallel_loop3A_356] {strides = array<i32>} : memref<512x128xf32, #tpu.memory_space<vmem>>, vector<1x16xf32>,
      %parallel_loop3A_358 = vector.shape_cast %parallel_loop3A_357 : vector<1x16xf32> to vector<16xf32>
      %parallel_loop3A_359 = vector.shape_cast %parallel_loop3A_354 : vector<16xf32> to vector<1x16xf32>
      tpu.vector_store %arg6[%parallel_loop3A_355, %parallel_loop3A_356], %parallel_loop3A_359 {strides = array<i32>} : memref<512x128xf32, #tpu.memory_space<vmem>>, vector<1x16xf32>,
      %parallel_loop3A_360 = arith.index_cast %parallel_loop3A_275 : i32 to index
      %parallel_loop3A_361 = arith.constant 112 : index
      %parallel_loop3A_362 = tpu.vector_load %arg6[%parallel_loop3A_360, %parallel_loop3A_361] {strides = array<i32>} : memref<512x128xf32, #tpu.memory_space<vmem>>, vector<1x16xf32>,
      %parallel_loop3A_363 = vector.shape_cast %parallel_loop3A_362 : vector<1x16xf32> to vector<16xf32>
      %parallel_loop3A_364 = arith.constant 11.3137083 : f32
      %parallel_loop3A_365 = vector.broadcast %parallel_loop3A_364 : f32 to vector<16xf32>
      %parallel_loop3A_366 = arith.mulf %parallel_loop3A_363, %parallel_loop3A_365 : vector<16xf32>
      %parallel_loop3A_367 = arith.index_cast %parallel_loop3A_275 : i32 to index
      %parallel_loop3A_368 = arith.constant 112 : index
      %parallel_loop3A_369 = tpu.vector_load %arg6[%parallel_loop3A_367, %parallel_loop3A_368] {strides = array<i32>} : memref<512x128xf32, #tpu.memory_space<vmem>>, vector<1x16xf32>,
      %parallel_loop3A_370 = vector.shape_cast %parallel_loop3A_369 : vector<1x16xf32> to vector<16xf32>
      %parallel_loop3A_371 = vector.shape_cast %parallel_loop3A_366 : vector<16xf32> to vector<1x16xf32>
      tpu.vector_store %arg6[%parallel_loop3A_367, %parallel_loop3A_368], %parallel_loop3A_371 {strides = array<i32>} : memref<512x128xf32, #tpu.memory_space<vmem>>, vector<1x16xf32>,
    } {sc.loop_unroll_factor = 4 : i64, sc.parallel_access}
    %add3A_185 = arith.constant 416 : i32
    %add3A_186 = arith.addi %mul3A_2, %add3A_185 : i32
    %dma_start3A_187 = arith.constant 4 : i32
    %dma_start3A_188 = arith.constant 416 : i32
    %dma_start3A_189 = arith.constant 0 : i32
    %dma_start3A_190 = tpu.memref_slice %arg6[%dma_start3A_188, %dma_start3A_189] : memref<512x128xf32, #tpu.memory_space<vmem>> -> memref<96x128xf32, #tpu.memory_space<vmem>>
    %dma_start3A_191 = arith.constant 0 : i32
    %dma_start3A_192 = tpu.memref_slice %arg4[%add3A_186, %dma_start3A_191] : memref<16384x128xf32, #tpu.memory_space<hbm>> -> memref<96x128xf32, #tpu.memory_space<hbm>>
    %dma_start3A_193 = tpu.memref_slice %arg8[%dma_start3A_187] : memref<5x!tpu.dma_semaphore, #tpu.memory_space<semaphore_mem>> -> memref<1x!tpu.dma_semaphore, #tpu.memory_space<semaphore_mem>>
    %dma_start3A_194 = tpu.memref_squeeze %dma_start3A_193 : memref<1x!tpu.dma_semaphore, #tpu.memory_space<semaphore_mem>> -> memref<!tpu.dma_semaphore, #tpu.memory_space<semaphore_mem>>
    %dma_start3A_195 = arith.constant 0 : i32
    %dma_start3A_196 = tpu.memref_slice %arg4[%add3A_186, %dma_start3A_195] : memref<16384x128xf32, #tpu.memory_space<hbm>> -> memref<96x128xf32, #tpu.memory_space<hbm>>
    %dma_start3A_197 = arith.constant 416 : i32
    %dma_start3A_198 = arith.constant 0 : i32
    %dma_start3A_199 = tpu.memref_slice %arg6[%dma_start3A_197, %dma_start3A_198] : memref<512x128xf32, #tpu.memory_space<vmem>> -> memref<96x128xf32, #tpu.memory_space<vmem>>
    tpu.enqueue_dma source(%dma_start3A_199 : memref<96x128xf32, #tpu.memory_space<vmem>>) target(%dma_start3A_196 : memref<96x128xf32, #tpu.memory_space<hbm>>) target_semaphore(%dma_start3A_194 : memref<!tpu.dma_semaphore, #tpu.memory_space<semaphore_mem>>)
    %add3A_200 = arith.constant 0 : i32
    %add3A_201 = arith.addi %mul3A_2, %add3A_200 : i32
    %dma_wait3A_202 = arith.constant 0 : i32
    %dma_wait3A_203 = arith.constant 0 : i32
    %dma_wait3A_204 = arith.constant 0 : i32
    %dma_wait3A_205 = tpu.memref_slice %arg6[%dma_wait3A_203, %dma_wait3A_204] : memref<512x128xf32, #tpu.memory_space<vmem>> -> memref<112x128xf32, #tpu.memory_space<vmem>>
    %dma_wait3A_206 = arith.constant 0 : i32
    %dma_wait3A_207 = tpu.memref_slice %arg4[%add3A_201, %dma_wait3A_206] : memref<16384x128xf32, #tpu.memory_space<hbm>> -> memref<112x128xf32, #tpu.memory_space<hbm>>
    %dma_wait3A_208 = tpu.memref_slice %arg8[%dma_wait3A_202] : memref<5x!tpu.dma_semaphore, #tpu.memory_space<semaphore_mem>> -> memref<1x!tpu.dma_semaphore, #tpu.memory_space<semaphore_mem>>
    %dma_wait3A_209 = tpu.memref_squeeze %dma_wait3A_208 : memref<1x!tpu.dma_semaphore, #tpu.memory_space<semaphore_mem>> -> memref<!tpu.dma_semaphore, #tpu.memory_space<semaphore_mem>>
    %dma_wait3A_210 = arith.constant 0 : i32
    %dma_wait3A_211 = tpu.memref_slice %arg4[%add3A_201, %dma_wait3A_210] : memref<16384x128xf32, #tpu.memory_space<hbm>> -> memref<112x128xf32, #tpu.memory_space<hbm>>
    %dma_wait3A_212 = arith.constant 0 : i32
    %dma_wait3A_213 = arith.constant 0 : i32
    %dma_wait3A_214 = tpu.memref_slice %arg6[%dma_wait3A_212, %dma_wait3A_213] : memref<512x128xf32, #tpu.memory_space<vmem>> -> memref<112x128xf32, #tpu.memory_space<vmem>>
    tpu.wait_dma2 semaphore(%dma_wait3A_209 : memref<!tpu.dma_semaphore, #tpu.memory_space<semaphore_mem>>) src(%dma_wait3A_214 : memref<112x128xf32, #tpu.memory_space<vmem>>) dst(%dma_wait3A_211 : memref<112x128xf32, #tpu.memory_space<hbm>>)
    %add3A_215 = arith.constant 112 : i32
    %add3A_216 = arith.addi %mul3A_2, %add3A_215 : i32
    %dma_wait3A_217 = arith.constant 1 : i32
    %dma_wait3A_218 = arith.constant 112 : i32
    %dma_wait3A_219 = arith.constant 0 : i32
    %dma_wait3A_220 = tpu.memref_slice %arg6[%dma_wait3A_218, %dma_wait3A_219] : memref<512x128xf32, #tpu.memory_space<vmem>> -> memref<104x128xf32, #tpu.memory_space<vmem>>
    %dma_wait3A_221 = arith.constant 0 : i32
    %dma_wait3A_222 = tpu.memref_slice %arg4[%add3A_216, %dma_wait3A_221] : memref<16384x128xf32, #tpu.memory_space<hbm>> -> memref<104x128xf32, #tpu.memory_space<hbm>>
    %dma_wait3A_223 = tpu.memref_slice %arg8[%dma_wait3A_217] : memref<5x!tpu.dma_semaphore, #tpu.memory_space<semaphore_mem>> -> memref<1x!tpu.dma_semaphore, #tpu.memory_space<semaphore_mem>>
    %dma_wait3A_224 = tpu.memref_squeeze %dma_wait3A_223 : memref<1x!tpu.dma_semaphore, #tpu.memory_space<semaphore_mem>> -> memref<!tpu.dma_semaphore, #tpu.memory_space<semaphore_mem>>
    %dma_wait3A_225 = arith.constant 0 : i32
    %dma_wait3A_226 = tpu.memref_slice %arg4[%add3A_216, %dma_wait3A_225] : memref<16384x128xf32, #tpu.memory_space<hbm>> -> memref<104x128xf32, #tpu.memory_space<hbm>>
    %dma_wait3A_227 = arith.constant 112 : i32
    %dma_wait3A_228 = arith.constant 0 : i32
    %dma_wait3A_229 = tpu.memref_slice %arg6[%dma_wait3A_227, %dma_wait3A_228] : memref<512x128xf32, #tpu.memory_space<vmem>> -> memref<104x128xf32, #tpu.memory_space<vmem>>
    tpu.wait_dma2 semaphore(%dma_wait3A_224 : memref<!tpu.dma_semaphore, #tpu.memory_space<semaphore_mem>>) src(%dma_wait3A_229 : memref<104x128xf32, #tpu.memory_space<vmem>>) dst(%dma_wait3A_226 : memref<104x128xf32, #tpu.memory_space<hbm>>)
    %add3A_230 = arith.constant 216 : i32
    %add3A_231 = arith.addi %mul3A_2, %add3A_230 : i32
    %dma_wait3A_232 = arith.constant 2 : i32
    %dma_wait3A_233 = arith.constant 216 : i32
    %dma_wait3A_234 = arith.constant 0 : i32
    %dma_wait3A_235 = tpu.memref_slice %arg6[%dma_wait3A_233, %dma_wait3A_234] : memref<512x128xf32, #tpu.memory_space<vmem>> -> memref<104x128xf32, #tpu.memory_space<vmem>>
    %dma_wait3A_236 = arith.constant 0 : i32
    %dma_wait3A_237 = tpu.memref_slice %arg4[%add3A_231, %dma_wait3A_236] : memref<16384x128xf32, #tpu.memory_space<hbm>> -> memref<104x128xf32, #tpu.memory_space<hbm>>
    %dma_wait3A_238 = tpu.memref_slice %arg8[%dma_wait3A_232] : memref<5x!tpu.dma_semaphore, #tpu.memory_space<semaphore_mem>> -> memref<1x!tpu.dma_semaphore, #tpu.memory_space<semaphore_mem>>
    %dma_wait3A_239 = tpu.memref_squeeze %dma_wait3A_238 : memref<1x!tpu.dma_semaphore, #tpu.memory_space<semaphore_mem>> -> memref<!tpu.dma_semaphore, #tpu.memory_space<semaphore_mem>>
    %dma_wait3A_240 = arith.constant 0 : i32
    %dma_wait3A_241 = tpu.memref_slice %arg4[%add3A_231, %dma_wait3A_240] : memref<16384x128xf32, #tpu.memory_space<hbm>> -> memref<104x128xf32, #tpu.memory_space<hbm>>
    %dma_wait3A_242 = arith.constant 216 : i32
    %dma_wait3A_243 = arith.constant 0 : i32
    %dma_wait3A_244 = tpu.memref_slice %arg6[%dma_wait3A_242, %dma_wait3A_243] : memref<512x128xf32, #tpu.memory_space<vmem>> -> memref<104x128xf32, #tpu.memory_space<vmem>>
    tpu.wait_dma2 semaphore(%dma_wait3A_239 : memref<!tpu.dma_semaphore, #tpu.memory_space<semaphore_mem>>) src(%dma_wait3A_244 : memref<104x128xf32, #tpu.memory_space<vmem>>) dst(%dma_wait3A_241 : memref<104x128xf32, #tpu.memory_space<hbm>>)
    %add3A_245 = arith.constant 320 : i32
    %add3A_246 = arith.addi %mul3A_2, %add3A_245 : i32
    %dma_wait3A_247 = arith.constant 3 : i32
    %dma_wait3A_248 = arith.constant 320 : i32
    %dma_wait3A_249 = arith.constant 0 : i32
    %dma_wait3A_250 = tpu.memref_slice %arg6[%dma_wait3A_248, %dma_wait3A_249] : memref<512x128xf32, #tpu.memory_space<vmem>> -> memref<96x128xf32, #tpu.memory_space<vmem>>
    %dma_wait3A_251 = arith.constant 0 : i32
    %dma_wait3A_252 = tpu.memref_slice %arg4[%add3A_246, %dma_wait3A_251] : memref<16384x128xf32, #tpu.memory_space<hbm>> -> memref<96x128xf32, #tpu.memory_space<hbm>>
    %dma_wait3A_253 = tpu.memref_slice %arg8[%dma_wait3A_247] : memref<5x!tpu.dma_semaphore, #tpu.memory_space<semaphore_mem>> -> memref<1x!tpu.dma_semaphore, #tpu.memory_space<semaphore_mem>>
    %dma_wait3A_254 = tpu.memref_squeeze %dma_wait3A_253 : memref<1x!tpu.dma_semaphore, #tpu.memory_space<semaphore_mem>> -> memref<!tpu.dma_semaphore, #tpu.memory_space<semaphore_mem>>
    %dma_wait3A_255 = arith.constant 0 : i32
    %dma_wait3A_256 = tpu.memref_slice %arg4[%add3A_246, %dma_wait3A_255] : memref<16384x128xf32, #tpu.memory_space<hbm>> -> memref<96x128xf32, #tpu.memory_space<hbm>>
    %dma_wait3A_257 = arith.constant 320 : i32
    %dma_wait3A_258 = arith.constant 0 : i32
    %dma_wait3A_259 = tpu.memref_slice %arg6[%dma_wait3A_257, %dma_wait3A_258] : memref<512x128xf32, #tpu.memory_space<vmem>> -> memref<96x128xf32, #tpu.memory_space<vmem>>
    tpu.wait_dma2 semaphore(%dma_wait3A_254 : memref<!tpu.dma_semaphore, #tpu.memory_space<semaphore_mem>>) src(%dma_wait3A_259 : memref<96x128xf32, #tpu.memory_space<vmem>>) dst(%dma_wait3A_256 : memref<96x128xf32, #tpu.memory_space<hbm>>)
    %add3A_260 = arith.constant 416 : i32
    %add3A_261 = arith.addi %mul3A_2, %add3A_260 : i32
    %dma_wait3A_262 = arith.constant 4 : i32
    %dma_wait3A_263 = arith.constant 416 : i32
    %dma_wait3A_264 = arith.constant 0 : i32
    %dma_wait3A_265 = tpu.memref_slice %arg6[%dma_wait3A_263, %dma_wait3A_264] : memref<512x128xf32, #tpu.memory_space<vmem>> -> memref<96x128xf32, #tpu.memory_space<vmem>>
    %dma_wait3A_266 = arith.constant 0 : i32
    %dma_wait3A_267 = tpu.memref_slice %arg4[%add3A_261, %dma_wait3A_266] : memref<16384x128xf32, #tpu.memory_space<hbm>> -> memref<96x128xf32, #tpu.memory_space<hbm>>
    %dma_wait3A_268 = tpu.memref_slice %arg8[%dma_wait3A_262] : memref<5x!tpu.dma_semaphore, #tpu.memory_space<semaphore_mem>> -> memref<1x!tpu.dma_semaphore, #tpu.memory_space<semaphore_mem>>
    %dma_wait3A_269 = tpu.memref_squeeze %dma_wait3A_268 : memref<1x!tpu.dma_semaphore, #tpu.memory_space<semaphore_mem>> -> memref<!tpu.dma_semaphore, #tpu.memory_space<semaphore_mem>>
    %dma_wait3A_270 = arith.constant 0 : i32
    %dma_wait3A_271 = tpu.memref_slice %arg4[%add3A_261, %dma_wait3A_270] : memref<16384x128xf32, #tpu.memory_space<hbm>> -> memref<96x128xf32, #tpu.memory_space<hbm>>
    %dma_wait3A_272 = arith.constant 416 : i32
    %dma_wait3A_273 = arith.constant 0 : i32
    %dma_wait3A_274 = tpu.memref_slice %arg6[%dma_wait3A_272, %dma_wait3A_273] : memref<512x128xf32, #tpu.memory_space<vmem>> -> memref<96x128xf32, #tpu.memory_space<vmem>>
    tpu.wait_dma2 semaphore(%dma_wait3A_269 : memref<!tpu.dma_semaphore, #tpu.memory_space<semaphore_mem>>) src(%dma_wait3A_274 : memref<96x128xf32, #tpu.memory_space<vmem>>) dst(%dma_wait3A_271 : memref<96x128xf32, #tpu.memory_space<hbm>>)
    return
  }
}

</mosaic_0001>

<sc_bundles>
// kernel: kernel.3.cloned.1.call-start
scs
__scs_entry_jumppad:
0x0: {  	(pc) =	sbr.rel $0x88, $3  }
0x1: {  	(tag) =	ssettag $0x0;
	lr =	simm.s32 $0x1  }
0x2: {  	[smem:$0x3F9F] =	sst lr;
	_ =	strace $0xD0000000  }
0x3: {  	_ = 	snop  }
0x4: {  	_ = 	snop  }
0x5: {  	_ = 	snop  }
0x6: {  	_ = 	snop  }
0x7: {  	_ = 	snop  }
__scs_overlays_trampoline_lowered:
0x8: {  	[smem:$0x3FAE] =	sst s0  }
0x9: {  	[smem:$0x3FAF] =	sst s1  }
0xa: {  	[smem:$0x3FB0] =	sst s2  }
0xb: {  	[smem:$0x3FB1] =	sst s3  }
0xc: {  	[smem:$0x3FB2] =	sst s4  }
0xd: {  	[smem:$0x3FB3] =	sst s5  }
0xe: {  	[smem:$0x3FB4] =	sst s6  }
0xf: {  	[smem:$0x3FB5] =	sst s7  }
0x10: {  	[smem:$0x3FB6] =	sst s8  }
0x11: {  	[smem:$0x3FB7] =	sst s9;
	s0 =	simm.s32 @!p0 $0x0  }
0x12: {  	s1 =	sld [smem:$0x3F9D];
	s0 =	simm.s32 @p0 $0x1  }
0x13: {  	[smem:$0x3FB8] =	sst s0;
	s0 =	simm.s32 @!p1 $0x0  }
0x14: {  	s2 =	sld [smem:$0x3F9C];
	s0 =	simm.s32 @p1 $0x1  }
0x15: {  	[smem:$0x3FB9] =	sst s0;
	s0 =	simm.s32 @!p2 $0x0  }
0x16: {  	s3 =	sld [smem:$0x3FDB];
	s0 =	simm.s32 @p2 $0x1  }
0x17: {  	s4 =	simm.s32 $0x1BF5;
	[smem:$0x3FBB] =	sst s0  }
0x18: {  	s0 =	sld [smem:$0x3F9E];
	_ =	swait.ge [sflag:s4], $0x0  }
0x19: {  	s7 =	sld [smem:$0x3F9F]  }
0x1a: {  	s8 =	sadd.s32 $0xFFFFE003, lr  }
0x1b: {  	s9 =	sadd.s32 $0xFFFFFEF7, lr;
	s5 =	simm.s32 $0xFFFFFFFF;
	p2 =	slt.u32 s8, $0xFFFFF086  }
0x1c: {  	p1 =	slt.u32 s9, $0xF7A;
	s5 =	simm.s32 @!p2 $0x0  }
0x1d: {  	s5 =	simm.s32 @p1 $0x1;
	p0 =	seq.s32 s7, s2  }
0x1e: {  	s7 =	smul.u32 @!p0 $0xF7A, s2;
	p2 =	seq.s32 @!p0 s5, $0x0  }
0x1f: {  	s9 =	smul.u32 $0xF7A, s1;
	s8 =	simm.s32 @!p0 $0x1BF5;
	p2 =	por !p2, p0  }
0x20: {  	[sflag:s8] =	ssyncset.s32 @!p0 $0xFFFFF086;
	s6 =	sadd.s32 @!p0 s3, s7;
	s7 =	simm.s32 @!p0 $0x108  }
0x21: {  	s3 =	sadd.s32 s3, s9;
	s6 =	sadd.s32 @!p0 $0x88, s6;
	s7 =	simm.s32 @p2 $0x1082  }
0x22: {  	[simem:s7], [sflag:s8] =	dma.local @!p0 [hbm:s6], $0xF7A  }
0x23: {  	s9 =	sor.u32 $0xD0000000, s2;
	s6 =	simm.s32 $0x108;
	_ =	swait.ge @!p0 [sflag:s8], $0x0  }
0x24: {  	s3 =	sadd.s32 $0x88, s3;
	s6 =	simm.s32 @!p1 $0x1082;
	[sflag:s4] =	ssyncset.s32 $0xFFFFF086  }
0x25: {  	[simem:s6], [sflag:s4] =	dma.local [hbm:s3], $0xF7A  }
0x26: {  	[smem:$0x3F9F] =	sst s1;
	(tag) =	ssettag s2;
	_ =	strace s9  }
0x27: {  	s1 =	sld [smem:$0x3FAF]  }
0x28: {  	s2 =	sld [smem:$0x3FB0]  }
0x29: {  	s4 =	sld [smem:$0x3FB2]  }
0x2a: {  	p0 =	seq.s32 s5, $0x0;
	s5 =	sld [smem:$0x3FB3]  }
0x2b: {  	s6 =	sld [smem:$0x3FB4]  }
0x2c: {  	s7 =	sld [smem:$0x3FB5]  }
0x2d: {  	s3 =	simm.s32 $0x108;
	s8 =	sld [smem:$0x3FB6]  }
0x2e: {  	s3 =	simm.s32 @!p0 $0x1082;
	s9 =	sld [smem:$0x3FB7]  }
0x2f: {  	lr =	sadd.s32 s0, s3;
	s0 =	sld [smem:$0x3FAE]  }
0x30: {  	s3 =	sld [smem:$0x3FB1]  }
0x31: {  	[smem:$0x3FBA] =	sst s10  }
0x32: {  	s10 =	sld [smem:$0x3FB8];
	_ =	sdelay $0x3  }
0x33: {  	p0 =	seq.s32 s10, $0x1;
	s10 =	sld [smem:$0x3FBA];
	_ =	sdelay $0x3  }
0x34: {  	[smem:$0x3FBA] =	sst s10  }
0x35: {  	s10 =	sld [smem:$0x3FB9];
	_ =	sdelay $0x3  }
0x36: {  	p1 =	seq.s32 s10, $0x1;
	s10 =	sld [smem:$0x3FBA];
	_ =	sdelay $0x3  }
0x37: {  	[smem:$0x3FBA] =	sst s10  }
0x38: {  	s10 =	sld [smem:$0x3FBB]  }
0x39: {  	_ = 	snop;
	(pc) =	sbr.ind lr, $3  }
0x3a: {  	_ = 	snop  }
0x3b: {  	_ = 	snop  }
0x3c: {  	p2 =	seq.s32 s10, $0x1;
	s10 =	sld [smem:$0x3FBA]  }
0x3d: {  	_ =	shalt  }
0x3e: {  	_ =	shalt  }
0x3f: {  	_ =	shalt  }
0x40: {  	_ =	shalt  }
0x41: {  	_ =	shalt  }
0x42: {  	_ =	shalt  }
0x43: {  	_ =	shalt  }
0x44: {  	_ =	shalt  }
0x45: {  	_ =	shalt  }
0x46: {  	_ =	shalt  }
0x47: {  	_ =	shalt  }
0x48: {  	_ =	shalt  }
0x49: {  	_ =	shalt  }
0x4a: {  	_ =	shalt  }
0x4b: {  	_ =	shalt  }
0x4c: {  	_ =	shalt  }
0x4d: {  	_ =	shalt  }
0x4e: {  	_ =	shalt  }
0x4f: {  	_ =	shalt  }
0x50: {  	_ =	shalt  }
0x51: {  	_ =	shalt  }
0x52: {  	_ =	shalt  }
0x53: {  	_ =	shalt  }
0x54: {  	_ =	shalt  }
0x55: {  	_ =	shalt  }
0x56: {  	_ =	shalt  }
0x57: {  	_ =	shalt  }
0x58: {  	_ =	shalt  }
0x59: {  	_ =	shalt  }
0x5a: {  	_ =	shalt  }
0x5b: {  	_ =	shalt  }
0x5c: {  	_ =	shalt  }
0x5d: {  	_ =	shalt  }
0x5e: {  	_ =	shalt  }
0x5f: {  	_ =	shalt  }
0x60: {  	_ =	shalt  }
0x61: {  	_ =	shalt  }
0x62: {  	_ =	shalt  }
0x63: {  	_ =	shalt  }
0x64: {  	_ =	shalt  }
0x65: {  	_ =	shalt  }
0x66: {  	_ =	shalt  }
0x67: {  	_ =	shalt  }
0x68: {  	_ =	shalt  }
0x69: {  	_ =	shalt  }
0x6a: {  	_ =	shalt  }
0x6b: {  	_ =	shalt  }
0x6c: {  	_ =	shalt  }
0x6d: {  	_ =	shalt  }
0x6e: {  	_ =	shalt  }
0x6f: {  	_ =	shalt  }
0x70: {  	_ =	shalt  }
0x71: {  	_ =	shalt  }
0x72: {  	_ =	shalt  }
0x73: {  	_ =	shalt  }
0x74: {  	_ =	shalt  }
0x75: {  	_ =	shalt  }
0x76: {  	_ =	shalt  }
0x77: {  	_ =	shalt  }
0x78: {  	_ =	shalt  }
0x79: {  	_ =	shalt  }
0x7a: {  	_ =	shalt  }
0x7b: {  	_ =	shalt  }
0x7c: {  	_ =	shalt  }
0x7d: {  	_ =	shalt  }
0x7e: {  	_ =	shalt  }
0x7f: {  	_ =	shalt  }
0x80: {  	_ =	shalt  }
0x81: {  	_ =	shalt  }
0x82: {  	_ =	shalt  }
0x83: {  	_ =	shalt  }
0x84: {  	_ =	shalt  }
0x85: {  	_ =	shalt  }
0x86: {  	_ =	shalt  }
0x87: {  	_ =	shalt  }
.Lfunc_end0:
.L_simem_size_0:
called_computation_lowered:
.L_overlay_start_0:
0x88: {  	s2 =	sld [smem:$0x3FD9]  }
0x89: {  	s3 =	sld [smem:$0x3FFE];
	_ =	sdelay $0x1  }
0x8a: {  	s1 =	srdreg.scid  }
0x8b: {  	s0 =	sand.u32 $0x1, s1  }
0x8c: {  	s18 =	sshll.u32 s0, $0xA;
	s2 =	sadd.s32 s3, s2  }
0x8d: {  	s2 =	sadd.s32 s2, s18  }
0x8e: {  	[smem:$0x3FC6] =	sst s2  }
0x8f: {  	_ = 	snop  }
0x90: {  	s2 =	sld [smem:$0x3FC9]  }
0x91: {  	s19 =	sld [smem:$0x3FC8]  }
0x92: {  	s4 =	sld [smem:$0x3FD0];
	(tm) =	ssettm $0x1  }
0x93: {  	s5 =	sld [smem:$0x3FFB];
	_ =	sdelay $0x3  }
0x94: {  	_ =	strace s5  }
0x95: {  	s5 =	sld [smem:$0x3FFC];
	_ =	sdelay $0x3  }
0x96: {  	_ =	strace s5  }
0x97: {  	s5 =	sld [smem:$0x3FFD];
	_ =	sdelay $0x3  }
0x98: {  	_ =	strace s5  }
0x99: {  	_ =	strace $0x8FFFFFFF  }
0x9a: {  	s20 =	sld [smem:$0x3FDB];
	_ =	sdelay $0x1  }
0x9b: {  	s6 =	simm.s32 $_scs_section_size  }
0x9c: {  	s7 =	simm.s32 $_size__tile_overlayer_lowered;
	s8 =	simm.s32 $_tile_overlayer_lowered  }
0x9d: {  	s23 =	simm.s32 $0x1BFF;
	s22 =	sshll.u32 s8, $0x1;
	s5 =	sadd.s32 s6, s20  }
0x9e: {  	s9 =	simm.s32 $0x0;
	s21 =	sshll.u32 s7, $0x1;
	s7 =	sadd.s32 s22, s5  }
0x9f: {  	[timem:s9], [sflag:s23] =	dma.local [hbm:s7], s21  }
0xa0: {  	_ =	swait.ge [sflag:s23], s21  }
0xa1: {  	s6 =	ssub.s32 $0x0, s21;
	[sflag:s23] =	ssyncset.done $0x0  }
0xa2: {  	[sflag:s23] =	ssyncadd.s32 s6;
	_ =	sdelay $0x1  }
0xa3: {  	s24 =	simm.s32 $0x1B8B  }
0xa4: {  	_ =	swait.ge [sflag:s24], $0x1  }
0xa5: {  	[sflag:s24] =	ssyncset.done $0x0  }
0xa6: {  	s25 =	simm.s32 $0x1B8E;
	[sflag:s24] =	ssyncadd.s32 $0xFFFFFFFF  }
0xa7: {  	s26 =	simm.s32 $execute0_lowered;
	[smem:$0x3FD2] =	sst s25  }
0xa8: {  	s6 =	sshll.u32 s26, $0x1;
	_ =	strace $0x80000046;
	[dreg:$0x1] =	wrdreg $0xFFFFFFFF  }
0xa9: {  	s28 =	simm.s32 $_size_execute0_lowered;
	s5 =	sadd.s32 s5, s6;
	[dreg:$0x0] =	wrdreg $0x0  }
0xaa: {  	s6 =	sshll.u32 s28, $0x1;
	[dreg:$0x2] =	wrdreg s5  }
0xab: {  	[dreg:$0x3] =	wrdreg s6  }
0xac: {  	[dreg:$0x4] =	wrdreg $0xC0  }
0xad: {  	_ =	task [dreg:s9], $0x5FFFF  }
0xae: {  	[dreg:$0x1] =	wrdreg $0xFFFFFFFF  }
0xaf: {  	[dreg:$0x0] =	wrdreg $0x60  }
0xb0: {  	[dreg:$0x2] =	wrdreg s2  }
0xb1: {  	[dreg:$0x3] =	wrdreg s19  }
0xb2: {  	[dreg:$0x4] =	wrdreg s4  }
0xb3: {  	[dreg:$0x5] =	wrdreg $0x9  }
0xb4: {  	_ =	task.clear_ibuf [dreg:s9], $0x6FFFF;
	_ =	strace $0x90000046  }
0xb5: {  	s29 =	simm.s32 $0x9;
	_ =	strace $0x80000048  }
0xb6: {  	_ =	swait.ge [sflag:s29], $0x1  }
0xb7: {  	[sflag:s29] =	ssyncadd.s32 $0xFFFFFFFF  }
0xb8: {  	_ =	strace $0x90000048  }
0xb9: {  	_ =	sfence  }
0xba: {  	s30 =	sld [smem:$0x0];
	_ =	sdelay $0x2  }
0xbb: {  	s31 =	sshll.u32 s1, $0xD;
	s1 =	sshrl.u32 s1, $0x2  }
0xbc: {  	s3 =	sand.u32 $0x4000, s31;
	s1 =	sadd.s32 s1, s30  }
0xbd: {  	s0 =	sor.u32 s3, s0;
	s1 =	sshll.u32 s1, $0x11  }
0xbe: {  	s0 =	sor.u32 s1, s0  }
0xbf: {  	s0 =	sadd.s32 $0x8F2B, s0  }
0xc0: {  	[sflag:s0] =	ssyncadd.remote.s32 $0x1  }
0xc1: {  	_ =	sfence.sel $0xFFFF  }
0xc2: {  	[dreg:$0x0] =	wrdreg $0xFFFFFFFF;
	(pc) =	sbr.abs _section_cstart, $3  }
0xc3: {  	[dreg:$0x1] =	wrdreg $0xFFFFFFFF  }
0xc4: {  	_ =	task.clear_ibuf [dreg:s9], $0x2FFFF;
	_ =	strace $0x9FFFFFFF  }
0xc5: {  	(tm) =	ssettm $0x7FFFFFFF  }
tec
execute0_lowered:
.L_overlay_start_1:
0x0: {  	(tag) =	ssettag $0x1  }
0x1: {  	s0 =	rddreg [dreg:$0x0]  }
0x2: {  	s2 =	rddreg [dreg:$0x1]  }
0x3: {  	s1 =	rddreg [dreg:$0x2];
	s3 =	srdreg.scid  }
0x4: {  	s5 =	stileid.u32;
	s11 =	simm.s32 $0xB;
	s13 =	simm.s32 $0x200  }
0x5: {  	s14 =	simm.s32 $0x68;
	s15 =	simm.s32 $0x3A00;
	s17 =	simm.s32 $0x6E00  }
0x6: {  	s18 =	simm.s32 $0x60;
	s20 =	simm.s32 $0xA200;
	s22 =	simm.s32 $0xD200  }
0x7: {  	s23 =	simm.s32 $0x1;
	s28 =	simm.s32 $0x5;
	s29 =	simm.s32 $0x6  }
0x8: {  	s30 =	simm.s32 $0x7;
	s31 =	simm.s32 $0x8;
	s16 =	simm.s32 $0x0  }
0x9: {  	s4 =	sand.u32 $0x1, s3;
	s3 =	simm.s32 $0x0;
	s5 =	sshll.u32 s5, $0xA  }
0xa: {  	s6 =	sshll.u32 s4, $0x9;
	[smem:$0x7FF] =	sst s3;
	s24 =	ssub.s32 $0x2, s4  }
0xb: {  	s5 =	sor.u32 s6, s5;
	_ =	strace $0x80000047;
	s7 =	sshrl.u32 s24, $0x1  }
0xc: {  	s25 =	sshll.u32 s5, $0x4;
	s5 =	sshrl.u32 s5, $0x3;
	s26 =	ssub.s32 s24, s7  }
0xd: {  	s24 =	simm.s32 $0x2;
	s4 =	sadd.s32 s1, s25;
	s5 =	sadd.s32 s0, s5  }
0xe: {  	s10 =	smax.u32 s26, $0x1;
	s25 =	simm.s32 $0x3;
	s26 =	simm.s32 $0x4  }
0xf: {  	s0 =	simm.s32 $0x9;
	s1 =	simm.s32 $0xA;
	s6 =	sadd.s32 $0x700, s4  }
0x10: {  	s7 =	sadd.s32 $0xD80, s4;
	s8 =	sadd.s32 $0x1400, s4;
	s9 =	sadd.s32 $0x1A00, s4  }
.LBB2_1:
0x11: {  	[tilespmem:s3], [sflag:$0xB] =	stream.linear.gather [hbm4b:s5+s3], $0x200, $0x38;
	[tilespmem:$0x10200] =	vst v63  }
0x12: {  	_ =	swait.ge [sflag:s11], $0x200  }
0x13: {  	[sflag:s11] =	ssyncset.done $0x0  }
0x14: {  	s12 =	simm.s32 $0x70;
	[sflag:s11] =	ssyncadd.s32 $0xFFFFFE00  }
0x15: {  	[tilespmem:s13], [sflag:$0x1] =	stream.indirect.gather [hbm4b:s2+s12], $0x80, s3, s12, $0xb8;
	[tilespmem:$0x10200] =	vst v63  }
0x16: {  	_ = 	snop  }
0x17: {  	[tilespmem:s15], [sflag:$0x2] =	stream.indirect.gather [hbm4b:s2+s14], $0x80, s12, s14, $0xb8;
	[tilespmem:$0x10200] =	vst v63  }
0x18: {  	s21 =	simm.s32 $0xD8  }
0x19: {  	[tilespmem:s17], [sflag:$0x3] =	stream.indirect.gather [hbm4b:s2+s14], $0x80, s21, s14, $0xb8;
	[tilespmem:$0x10200] =	vst v63  }
0x1a: {  	s19 =	simm.s32 $0x140  }
0x1b: {  	[tilespmem:s20], [sflag:$0x4] =	stream.indirect.gather [hbm4b:s2+s18], $0x80, s19, s18, $0xb8;
	[tilespmem:$0x10200] =	vst v63  }
0x1c: {  	s21 =	simm.s32 $0x1A0  }
0x1d: {  	[tilespmem:s22], [sflag:$0x5] =	stream.indirect.gather [hbm4b:s2+s18], $0x80, s21, s18, $0xb8;
	[tilespmem:$0x10200] =	vst v63  }
0x1e: {  	_ =	swait.ge [sflag:s23], $0x3800  }
0x1f: {  	[sflag:s23] =	ssyncset.done $0x0  }
0x20: {  	s19 =	simm.s32 $0x300;
	[sflag:s23] =	ssyncadd.s32 $0xFFFFC800  }
0x21: {  	v0 =	vld [tilespmem:s19+$0xF0]  }
0x22: {  	v1 =	vld [tilespmem:s19+$0xFFFFFF10]  }
0x23: {  	v2 =	vld [tilespmem:s19+$0xFFFFFF20]  }
0x24: {  	v3 =	vld [tilespmem:s19+$0xFFFFFF30]  }
0x25: {  	v6 =	vld [tilespmem:s19+$0xFFFFFF60]  }
0x26: {  	v4 =	vld [tilespmem:s19+$0xFFFFFF40]  }
0x27: {  	v5 =	vld [tilespmem:s19+$0xFFFFFF50];
	v0 =	vmul.f32 $1.131370830e+01, v0  }
0x28: {  	v8 =	vld [tilespmem:s19+$0xFFFFFF80];
	v1 =	vmul.f32 $1.131370830e+01, v1  }
0x29: {  	v7 =	vld [tilespmem:s19+$0xFFFFFF70];
	v2 =	vmul.f32 $1.131370830e+01, v2;
	[tilespmem:s19+$0xF0] =	vst v0  }
0x2a: {  	v6 =	vmul.f32 $1.131370830e+01, v6;
	v0 =	vld [tilespmem:s19+$0xFFFFFF90];
	[tilespmem:s19+$0xFFFFFF10] =	vst v1  }
0x2b: {  	v1 =	vmul.f32 $1.131370830e+01, v3;
	v3 =	vld [tilespmem:s19+$0xFFFFFFA0];
	[tilespmem:s19+$0xFFFFFF20] =	vst v2;
	v2 =	vmul.f32 $1.131370830e+01, v4  }
0x2c: {  	[tilespmem:s19+$0xFFFFFF60] =	vst v6;
	v6 =	vld [tilespmem:s19+$0xFFFFFFF0]  }
0x2d: {  	v4 =	vld [tilespmem:s19+$0xFFFFFFB0];
	[tilespmem:s19+$0xFFFFFF40] =	vst v2;
	v2 =	vmul.f32 $1.131370830e+01, v8  }
0x2e: {  	[tilespmem:s19+$0xFFFFFF30] =	vst v1;
	v1 =	vmul.f32 $1.131370830e+01, v5;
	v5 =	vld [tilespmem:s19+$0xFFFFFFC0]  }
0x2f: {  	v8 =	vld [tilespmem:s19+$0xFFFFFFD0];
	[tilespmem:s19+$0xFFFFFF80] =	vst v2;
	v2 =	vmul.f32 $1.131370830e+01, v7  }
0x30: {  	[tilespmem:s19+$0xFFFFFF50] =	vst v1;
	v1 =	vld [tilespmem:s19+$0xFFFFFFE0];
	v0 =	vmul.f32 $1.131370830e+01, v0  }
0x31: {  	v7 =	vld [tilespmem:s19+$0x30];
	v6 =	vmul.f32 $1.131370830e+01, v6;
	[tilespmem:s19+$0xFFFFFF70] =	vst v2  }
0x32: {  	v2 =	vmul.f32 $1.131370830e+01, v3;
	v3 =	vld [tilespmem:s19+$0x0];
	[tilespmem:s19+$0xFFFFFF90] =	vst v0  }
0x33: {  	v0 =	vmul.f32 $1.131370830e+01, v4;
	v4 =	vld [tilespmem:s19+$0x10];
	[tilespmem:s19+$0xFFFFFFF0] =	vst v6  }
0x34: {  	[tilespmem:s19+$0xFFFFFFA0] =	vst v2;
	v2 =	vmul.f32 $1.131370830e+01, v5;
	v5 =	vld [tilespmem:s19+$0x20]  }
0x35: {  	v6 =	vld [tilespmem:s19+$0x80];
	[tilespmem:s19+$0xFFFFFFB0] =	vst v0;
	v0 =	vmul.f32 $1.131370830e+01, v8  }
0x36: {  	v1 =	vmul.f32 $1.131370830e+01, v1;
	[tilespmem:s19+$0xFFFFFFC0] =	vst v2;
	v2 =	vld [tilespmem:s19+$0x40]  }
0x37: {  	[tilespmem:s19+$0xFFFFFFD0] =	vst v0;
	v0 =	vmul.f32 $1.131370830e+01, v3  }
0x38: {  	v3 =	vld [tilespmem:s19+$0x50];
	[tilespmem:s19+$0xFFFFFFE0] =	vst v1;
	v4 =	vmul.f32 $1.131370830e+01, v4  }
0x39: {  	v1 =	vld [tilespmem:s19+$0x60];
	[tilespmem:s19+$0x0] =	vst v0;
	v0 =	vmul.f32 $1.131370830e+01, v5  }
0x3a: {  	v6 =	vmul.f32 $1.131370830e+01, v6;
	v5 =	vld [tilespmem:s19+$0x70];
	[tilespmem:s19+$0x10] =	vst v4  }
0x3b: {  	v4 =	vmul.f32 $1.131370830e+01, v7;
	v7 =	vld [tilespmem:s19+$0x90];
	[tilespmem:s19+$0x20] =	vst v0;
	v0 =	vmul.f32 $1.131370830e+01, v2  }
0x3c: {  	v8 =	vld [tilespmem:s19+$0xA0];
	[tilespmem:s19+$0x80] =	vst v6  }
0x3d: {  	v2 =	vmul.f32 $1.131370830e+01, v3;
	[tilespmem:s19+$0x40] =	vst v0;
	v0 =	vld [tilespmem:s19+$0xB0]  }
0x3e: {  	[tilespmem:s19+$0x30] =	vst v4;
	v3 =	vmul.f32 $1.131370830e+01, v1;
	v1 =	vld [tilespmem:s19+$0xC0]  }
0x3f: {  	[tilespmem:s19+$0x50] =	vst v2;
	v4 =	vmul.f32 $1.131370830e+01, v5;
	v2 =	vld [tilespmem:s19+$0xD0]  }
0x40: {  	[tilespmem:s19+$0x60] =	vst v3;
	v3 =	vld [tilespmem:s19+$0xE0];
	v5 =	vmul.f32 $1.131370830e+01, v7  }
0x41: {  	s12 =	simm.s32 $0x500;
	s21 =	simm.s32 $0x0;
	v6 =	vmul.f32 $1.131370830e+01, v8;
	[tilespmem:s19+$0x70] =	vst v4;
	v4 =	vld [tilespmem:s19+$0xFFFFFF00]  }
.LBB2_2:
0x42: {  	v7 =	vld [tilespmem:s12+$0xF0];
	s21 =	sadd.s32 $0x4, s21;
	[tilespmem:s19+$0x90] =	vst v5;
	v0 =	vmul.f32 $1.131370830e+01, v0  }
0x43: {  	v5 =	vld [tilespmem:s12+$0xFFFFFF10];
	p0 =	slt.u32 s21, $0x6C;
	[tilespmem:s19+$0xA0] =	vst v6;
	v1 =	vmul.f32 $1.131370830e+01, v1  }
0x44: {  	v6 =	vld [tilespmem:s12+$0xFFFFFF20];
	[tilespmem:s19+$0xB0] =	vst v0;
	v0 =	vmul.f32 $1.131370830e+01, v2  }
0x45: {  	v2 =	vld [tilespmem:s12+$0xFFFFFF30];
	[tilespmem:s19+$0xC0] =	vst v1;
	v1 =	vmul.f32 $1.131370830e+01, v3  }
0x46: {  	v3 =	vld [tilespmem:s12+$0xFFFFFF40];
	v4 =	vmul.f32 $1.131370830e+01, v4;
	[tilespmem:s19+$0xD0] =	vst v0  }
0x47: {  	v0 =	vld [tilespmem:s12+$0xFFFFFF50];
	v7 =	vmul.f32 $1.131370830e+01, v7;
	[tilespmem:s19+$0xE0] =	vst v1  }
0x48: {  	v1 =	vmul.f32 $1.131370830e+01, v5;
	v5 =	vld [tilespmem:s12+$0xFFFFFF60];
	[tilespmem:s19+$0xFFFFFF00] =	vst v4;
	s19 =	smov.u32 s12  }
0x49: {  	v4 =	vmul.f32 $1.131370830e+01, v6;
	v6 =	vld [tilespmem:s12+$0xFFFFFF70];
	[tilespmem:s12+$0xF0] =	vst v7  }
0x4a: {  	[tilespmem:s12+$0xFFFFFF10] =	vst v1;
	v1 =	vmul.f32 $1.131370830e+01, v2;
	v2 =	vld [tilespmem:s12+$0xFFFFFF80]  }
0x4b: {  	[tilespmem:s12+$0xFFFFFF20] =	vst v4;
	v3 =	vmul.f32 $1.131370830e+01, v3;
	v4 =	vld [tilespmem:s12+$0xFFFFFF90]  }
0x4c: {  	[tilespmem:s12+$0xFFFFFF30] =	vst v1;
	v0 =	vmul.f32 $1.131370830e+01, v0;
	v1 =	vld [tilespmem:s12+$0xFFFFFFA0]  }
0x4d: {  	[tilespmem:s12+$0xFFFFFF40] =	vst v3;
	v3 =	vmul.f32 $1.131370830e+01, v5;
	v5 =	vld [tilespmem:s12+$0xFFFFFFB0]  }
0x4e: {  	[tilespmem:s12+$0xFFFFFF50] =	vst v0;
	v0 =	vmul.f32 $1.131370830e+01, v6;
	v6 =	vld [tilespmem:s12+$0xFFFFFFC0]  }
0x4f: {  	[tilespmem:s12+$0xFFFFFF60] =	vst v3;
	v2 =	vmul.f32 $1.131370830e+01, v2;
	v3 =	vld [tilespmem:s12+$0xFFFFFFD0]  }
0x50: {  	[tilespmem:s12+$0xFFFFFF70] =	vst v0;
	v0 =	vmul.f32 $1.131370830e+01, v4;
	v4 =	vld [tilespmem:s12+$0xFFFFFFE0]  }
0x51: {  	[tilespmem:s12+$0xFFFFFF80] =	vst v2;
	v1 =	vmul.f32 $1.131370830e+01, v1;
	v2 =	vld [tilespmem:s12+$0xFFFFFFF0]  }
0x52: {  	[tilespmem:s12+$0xFFFFFF90] =	vst v0;
	v0 =	vmul.f32 $1.131370830e+01, v5;
	v5 =	vld [tilespmem:s12+$0x0]  }
0x53: {  	[tilespmem:s12+$0xFFFFFFA0] =	vst v1;
	v1 =	vmul.f32 $1.131370830e+01, v6;
	v6 =	vld [tilespmem:s12+$0x10]  }
0x54: {  	[tilespmem:s12+$0xFFFFFFB0] =	vst v0;
	v0 =	vmul.f32 $1.131370830e+01, v3;
	v3 =	vld [tilespmem:s12+$0x20]  }
0x55: {  	[tilespmem:s12+$0xFFFFFFC0] =	vst v1;
	v1 =	vmul.f32 $1.131370830e+01, v4;
	v4 =	vld [tilespmem:s12+$0x30]  }
0x56: {  	[tilespmem:s12+$0xFFFFFFD0] =	vst v0;
	v0 =	vmul.f32 $1.131370830e+01, v2;
	v2 =	vld [tilespmem:s12+$0x40]  }
0x57: {  	[tilespmem:s12+$0xFFFFFFE0] =	vst v1;
	v1 =	vmul.f32 $1.131370830e+01, v5;
	v5 =	vld [tilespmem:s12+$0x50]  }
0x58: {  	[tilespmem:s12+$0xFFFFFFF0] =	vst v0;
	v0 =	vmul.f32 $1.131370830e+01, v6;
	v6 =	vld [tilespmem:s12+$0x60]  }
0x59: {  	[tilespmem:s12+$0x0] =	vst v1;
	v1 =	vmul.f32 $1.131370830e+01, v3;
	v3 =	vld [tilespmem:s12+$0x70]  }
0x5a: {  	[tilespmem:s12+$0x10] =	vst v0;
	v0 =	vmul.f32 $1.131370830e+01, v4;
	v4 =	vld [tilespmem:s12+$0x80]  }
0x5b: {  	[tilespmem:s12+$0x20] =	vst v1;
	v1 =	vmul.f32 $1.131370830e+01, v2;
	v7 =	vld [tilespmem:s12+$0x90]  }
0x5c: {  	[tilespmem:s12+$0x30] =	vst v0;
	v2 =	vmul.f32 $1.131370830e+01, v5;
	v8 =	vld [tilespmem:s12+$0xA0]  }
.Ltmp0:
0x5d: {  	[tilespmem:s12+$0x40] =	vst v1;
	v5 =	vmul.f32 $1.131370830e+01, v6;
	v0 =	vld [tilespmem:s12+$0xB0];
	(pc) =	sbr.rel @p0 .LBB2_2-.Ltmp0, $4  }
0x5e: {  	[tilespmem:s12+$0x50] =	vst v2;
	v3 =	vmul.f32 $1.131370830e+01, v3;
	v1 =	vld [tilespmem:s12+$0xC0]  }
0x5f: {  	[tilespmem:s12+$0x60] =	vst v5;
	v6 =	vmul.f32 $1.131370830e+01, v4;
	v2 =	vld [tilespmem:s12+$0xD0]  }
0x60: {  	[tilespmem:s12+$0x70] =	vst v3;
	v5 =	vmul.f32 $1.131370830e+01, v7;
	v3 =	vld [tilespmem:s12+$0xE0]  }
0x61: {  	s12 =	sadd.s32 $0x200, s12;
	v4 =	vld [tilespmem:s19+$0xFFFFFF00];
	[tilespmem:s19+$0x80] =	vst v6;
	v6 =	vmul.f32 $1.131370830e+01, v8  }
0x62: {  	[tilespmem:s19+$0x90] =	vst v5;
	v0 =	vmul.f32 $1.131370830e+01, v0  }
0x63: {  	[tilespmem:s19+$0xA0] =	vst v6;
	v1 =	vmul.f32 $1.131370830e+01, v1  }
0x64: {  	[tilespmem:s19+$0xB0] =	vst v0;
	v0 =	vmul.f32 $1.131370830e+01, v2  }
0x65: {  	[tilespmem:s19+$0xC0] =	vst v1;
	v1 =	vmul.f32 $1.131370830e+01, v3  }
0x66: {  	v2 =	vmul.f32 $1.131370830e+01, v4;
	[tilespmem:s19+$0xD0] =	vst v0  }
0x67: {  	[tilespmem:s19+$0xE0] =	vst v1  }
0x68: {  	[tilespmem:s19+$0xFFFFFF00] =	vst v2  }
0x69: {  	[hbm4b:s4+s3] =	stream.linear.scatter [tilespmem:s13], [sflag:$0x6], $0x3800, $0x38;
	[tilespmem:$0x10200] =	vst v63  }
0x6a: {  	_ =	swait.ge [sflag:s24], $0x3400  }
0x6b: {  	[sflag:s24] =	ssyncset.done $0x0  }
0x6c: {  	s19 =	simm.s32 $0x3BF0;
	[sflag:s24] =	ssyncadd.s32 $0xFFFFCC00  }
0x6d: {  	v0 =	vld [tilespmem:s19+$0x0]  }
0x6e: {  	v1 =	vld [tilespmem:s19+$0xFFFFFE20]  }
0x6f: {  	v2 =	vld [tilespmem:s19+$0xFFFFFE30]  }
0x70: {  	v3 =	vld [tilespmem:s19+$0xFFFFFE40]  }
0x71: {  	v6 =	vld [tilespmem:s19+$0xFFFFFE70]  }
0x72: {  	v4 =	vld [tilespmem:s19+$0xFFFFFE50]  }
0x73: {  	v5 =	vld [tilespmem:s19+$0xFFFFFE60];
	v0 =	vmul.f32 $1.131370830e+01, v0  }
0x74: {  	v8 =	vld [tilespmem:s19+$0xFFFFFE90];
	v1 =	vmul.f32 $1.131370830e+01, v1  }
0x75: {  	v7 =	vld [tilespmem:s19+$0xFFFFFE80];
	v2 =	vmul.f32 $1.131370830e+01, v2;
	[tilespmem:s19+$0x0] =	vst v0  }
0x76: {  	v6 =	vmul.f32 $1.131370830e+01, v6;
	v0 =	vld [tilespmem:s19+$0xFFFFFEA0];
	[tilespmem:s19+$0xFFFFFE20] =	vst v1  }
0x77: {  	v1 =	vmul.f32 $1.131370830e+01, v3;
	v3 =	vld [tilespmem:s19+$0xFFFFFEB0];
	[tilespmem:s19+$0xFFFFFE30] =	vst v2;
	v2 =	vmul.f32 $1.131370830e+01, v4  }
0x78: {  	[tilespmem:s19+$0xFFFFFE70] =	vst v6;
	v6 =	vld [tilespmem:s19+$0xFFFFFF00]  }
0x79: {  	v4 =	vld [tilespmem:s19+$0xFFFFFEC0];
	[tilespmem:s19+$0xFFFFFE50] =	vst v2;
	v2 =	vmul.f32 $1.131370830e+01, v8  }
0x7a: {  	[tilespmem:s19+$0xFFFFFE40] =	vst v1;
	v1 =	vmul.f32 $1.131370830e+01, v5;
	v5 =	vld [tilespmem:s19+$0xFFFFFED0]  }
0x7b: {  	v8 =	vld [tilespmem:s19+$0xFFFFFEE0];
	[tilespmem:s19+$0xFFFFFE90] =	vst v2;
	v2 =	vmul.f32 $1.131370830e+01, v7  }
0x7c: {  	[tilespmem:s19+$0xFFFFFE60] =	vst v1;
	v1 =	vld [tilespmem:s19+$0xFFFFFEF0];
	v0 =	vmul.f32 $1.131370830e+01, v0  }
0x7d: {  	v7 =	vld [tilespmem:s19+$0xFFFFFF40];
	v6 =	vmul.f32 $1.131370830e+01, v6;
	[tilespmem:s19+$0xFFFFFE80] =	vst v2  }
0x7e: {  	v2 =	vmul.f32 $1.131370830e+01, v3;
	v3 =	vld [tilespmem:s19+$0xFFFFFF10];
	[tilespmem:s19+$0xFFFFFEA0] =	vst v0  }
0x7f: {  	v0 =	vmul.f32 $1.131370830e+01, v4;
	v4 =	vld [tilespmem:s19+$0xFFFFFF20];
	[tilespmem:s19+$0xFFFFFF00] =	vst v6  }
0x80: {  	[tilespmem:s19+$0xFFFFFEB0] =	vst v2;
	v2 =	vmul.f32 $1.131370830e+01, v5;
	v5 =	vld [tilespmem:s19+$0xFFFFFF30]  }
0x81: {  	v6 =	vld [tilespmem:s19+$0xFFFFFF90];
	[tilespmem:s19+$0xFFFFFEC0] =	vst v0;
	v0 =	vmul.f32 $1.131370830e+01, v8  }
0x82: {  	v1 =	vmul.f32 $1.131370830e+01, v1;
	[tilespmem:s19+$0xFFFFFED0] =	vst v2;
	v2 =	vld [tilespmem:s19+$0xFFFFFF50]  }
0x83: {  	[tilespmem:s19+$0xFFFFFEE0] =	vst v0;
	v0 =	vmul.f32 $1.131370830e+01, v3  }
0x84: {  	v3 =	vld [tilespmem:s19+$0xFFFFFF60];
	[tilespmem:s19+$0xFFFFFEF0] =	vst v1;
	v4 =	vmul.f32 $1.131370830e+01, v4  }
0x85: {  	v1 =	vld [tilespmem:s19+$0xFFFFFF70];
	[tilespmem:s19+$0xFFFFFF10] =	vst v0;
	v0 =	vmul.f32 $1.131370830e+01, v5  }
0x86: {  	v6 =	vmul.f32 $1.131370830e+01, v6;
	v5 =	vld [tilespmem:s19+$0xFFFFFF80];
	[tilespmem:s19+$0xFFFFFF20] =	vst v4  }
0x87: {  	v4 =	vmul.f32 $1.131370830e+01, v7;
	v7 =	vld [tilespmem:s19+$0xFFFFFFA0];
	[tilespmem:s19+$0xFFFFFF30] =	vst v0;
	v0 =	vmul.f32 $1.131370830e+01, v2  }
0x88: {  	v8 =	vld [tilespmem:s19+$0xFFFFFFB0];
	[tilespmem:s19+$0xFFFFFF90] =	vst v6  }
0x89: {  	v2 =	vmul.f32 $1.131370830e+01, v3;
	[tilespmem:s19+$0xFFFFFF50] =	vst v0;
	v0 =	vld [tilespmem:s19+$0xFFFFFFC0]  }
0x8a: {  	[tilespmem:s19+$0xFFFFFF40] =	vst v4;
	v3 =	vmul.f32 $1.131370830e+01, v1;
	v1 =	vld [tilespmem:s19+$0xFFFFFFD0]  }
0x8b: {  	[tilespmem:s19+$0xFFFFFF60] =	vst v2;
	v4 =	vmul.f32 $1.131370830e+01, v5;
	v2 =	vld [tilespmem:s19+$0xFFFFFFE0]  }
0x8c: {  	[tilespmem:s19+$0xFFFFFF70] =	vst v3;
	v3 =	vld [tilespmem:s19+$0xFFFFFFF0];
	v5 =	vmul.f32 $1.131370830e+01, v7  }
0x8d: {  	s21 =	simm.s32 $0x70;
	s12 =	simm.s32 $0x3DF0;
	v6 =	vmul.f32 $1.131370830e+01, v8;
	[tilespmem:s19+$0xFFFFFF80] =	vst v4;
	v4 =	vld [tilespmem:s19+$0xFFFFFE10]  }
.LBB2_4:
0x8e: {  	v7 =	vld [tilespmem:s12+$0x0];
	s21 =	sadd.s32 $0x4, s21;
	[tilespmem:s19+$0xFFFFFFA0] =	vst v5;
	v0 =	vmul.f32 $1.131370830e+01, v0  }
0x8f: {  	v5 =	vld [tilespmem:s12+$0xFFFFFE20];
	p0 =	slt.u32 s21, $0xD4;
	[tilespmem:s19+$0xFFFFFFB0] =	vst v6;
	v1 =	vmul.f32 $1.131370830e+01, v1  }
0x90: {  	v6 =	vld [tilespmem:s12+$0xFFFFFE30];
	[tilespmem:s19+$0xFFFFFFC0] =	vst v0;
	v0 =	vmul.f32 $1.131370830e+01, v2  }
0x91: {  	v2 =	vld [tilespmem:s12+$0xFFFFFE40];
	[tilespmem:s19+$0xFFFFFFD0] =	vst v1;
	v1 =	vmul.f32 $1.131370830e+01, v3  }
0x92: {  	v3 =	vld [tilespmem:s12+$0xFFFFFE50];
	v4 =	vmul.f32 $1.131370830e+01, v4;
	[tilespmem:s19+$0xFFFFFFE0] =	vst v0  }
0x93: {  	v0 =	vld [tilespmem:s12+$0xFFFFFE60];
	v7 =	vmul.f32 $1.131370830e+01, v7;
	[tilespmem:s19+$0xFFFFFFF0] =	vst v1  }
0x94: {  	v1 =	vmul.f32 $1.131370830e+01, v5;
	v5 =	vld [tilespmem:s12+$0xFFFFFE70];
	[tilespmem:s19+$0xFFFFFE10] =	vst v4;
	s19 =	smov.u32 s12  }
0x95: {  	v4 =	vmul.f32 $1.131370830e+01, v6;
	v6 =	vld [tilespmem:s12+$0xFFFFFE80];
	[tilespmem:s12+$0x0] =	vst v7  }
0x96: {  	[tilespmem:s12+$0xFFFFFE20] =	vst v1;
	v1 =	vmul.f32 $1.131370830e+01, v2;
	v2 =	vld [tilespmem:s12+$0xFFFFFE90]  }
0x97: {  	[tilespmem:s12+$0xFFFFFE30] =	vst v4;
	v3 =	vmul.f32 $1.131370830e+01, v3;
	v4 =	vld [tilespmem:s12+$0xFFFFFEA0]  }
0x98: {  	[tilespmem:s12+$0xFFFFFE40] =	vst v1;
	v0 =	vmul.f32 $1.131370830e+01, v0;
	v1 =	vld [tilespmem:s12+$0xFFFFFEB0]  }
0x99: {  	[tilespmem:s12+$0xFFFFFE50] =	vst v3;
	v3 =	vmul.f32 $1.131370830e+01, v5;
	v5 =	vld [tilespmem:s12+$0xFFFFFEC0]  }
0x9a: {  	[tilespmem:s12+$0xFFFFFE60] =	vst v0;
	v0 =	vmul.f32 $1.131370830e+01, v6;
	v6 =	vld [tilespmem:s12+$0xFFFFFED0]  }
0x9b: {  	[tilespmem:s12+$0xFFFFFE70] =	vst v3;
	v2 =	vmul.f32 $1.131370830e+01, v2;
	v3 =	vld [tilespmem:s12+$0xFFFFFEE0]  }
0x9c: {  	[tilespmem:s12+$0xFFFFFE80] =	vst v0;
	v0 =	vmul.f32 $1.131370830e+01, v4;
	v4 =	vld [tilespmem:s12+$0xFFFFFEF0]  }
0x9d: {  	[tilespmem:s12+$0xFFFFFE90] =	vst v2;
	v1 =	vmul.f32 $1.131370830e+01, v1;
	v2 =	vld [tilespmem:s12+$0xFFFFFF00]  }
0x9e: {  	[tilespmem:s12+$0xFFFFFEA0] =	vst v0;
	v0 =	vmul.f32 $1.131370830e+01, v5;
	v5 =	vld [tilespmem:s12+$0xFFFFFF10]  }
0x9f: {  	[tilespmem:s12+$0xFFFFFEB0] =	vst v1;
	v1 =	vmul.f32 $1.131370830e+01, v6;
	v6 =	vld [tilespmem:s12+$0xFFFFFF20]  }
0xa0: {  	[tilespmem:s12+$0xFFFFFEC0] =	vst v0;
	v0 =	vmul.f32 $1.131370830e+01, v3;
	v3 =	vld [tilespmem:s12+$0xFFFFFF30]  }
0xa1: {  	[tilespmem:s12+$0xFFFFFED0] =	vst v1;
	v1 =	vmul.f32 $1.131370830e+01, v4;
	v4 =	vld [tilespmem:s12+$0xFFFFFF40]  }
0xa2: {  	[tilespmem:s12+$0xFFFFFEE0] =	vst v0;
	v0 =	vmul.f32 $1.131370830e+01, v2;
	v2 =	vld [tilespmem:s12+$0xFFFFFF50]  }
0xa3: {  	[tilespmem:s12+$0xFFFFFEF0] =	vst v1;
	v1 =	vmul.f32 $1.131370830e+01, v5;
	v5 =	vld [tilespmem:s12+$0xFFFFFF60]  }
0xa4: {  	[tilespmem:s12+$0xFFFFFF00] =	vst v0;
	v0 =	vmul.f32 $1.131370830e+01, v6;
	v6 =	vld [tilespmem:s12+$0xFFFFFF70]  }
0xa5: {  	[tilespmem:s12+$0xFFFFFF10] =	vst v1;
	v1 =	vmul.f32 $1.131370830e+01, v3;
	v3 =	vld [tilespmem:s12+$0xFFFFFF80]  }
0xa6: {  	[tilespmem:s12+$0xFFFFFF20] =	vst v0;
	v0 =	vmul.f32 $1.131370830e+01, v4;
	v4 =	vld [tilespmem:s12+$0xFFFFFF90]  }
0xa7: {  	[tilespmem:s12+$0xFFFFFF30] =	vst v1;
	v1 =	vmul.f32 $1.131370830e+01, v2;
	v7 =	vld [tilespmem:s12+$0xFFFFFFA0]  }
0xa8: {  	[tilespmem:s12+$0xFFFFFF40] =	vst v0;
	v2 =	vmul.f32 $1.131370830e+01, v5;
	v8 =	vld [tilespmem:s12+$0xFFFFFFB0]  }
.Ltmp1:
0xa9: {  	[tilespmem:s12+$0xFFFFFF50] =	vst v1;
	v5 =	vmul.f32 $1.131370830e+01, v6;
	v0 =	vld [tilespmem:s12+$0xFFFFFFC0];
	(pc) =	sbr.rel @p0 .LBB2_4-.Ltmp1, $4  }
0xaa: {  	[tilespmem:s12+$0xFFFFFF60] =	vst v2;
	v3 =	vmul.f32 $1.131370830e+01, v3;
	v1 =	vld [tilespmem:s12+$0xFFFFFFD0]  }
0xab: {  	[tilespmem:s12+$0xFFFFFF70] =	vst v5;
	v6 =	vmul.f32 $1.131370830e+01, v4;
	v2 =	vld [tilespmem:s12+$0xFFFFFFE0]  }
0xac: {  	[tilespmem:s12+$0xFFFFFF80] =	vst v3;
	v5 =	vmul.f32 $1.131370830e+01, v7;
	v3 =	vld [tilespmem:s12+$0xFFFFFFF0]  }
0xad: {  	s12 =	sadd.s32 $0x200, s12;
	v4 =	vld [tilespmem:s19+$0xFFFFFE10];
	[tilespmem:s19+$0xFFFFFF90] =	vst v6;
	v6 =	vmul.f32 $1.131370830e+01, v8  }
0xae: {  	[tilespmem:s19+$0xFFFFFFA0] =	vst v5;
	v0 =	vmul.f32 $1.131370830e+01, v0  }
0xaf: {  	[tilespmem:s19+$0xFFFFFFB0] =	vst v6;
	v1 =	vmul.f32 $1.131370830e+01, v1  }
0xb0: {  	[tilespmem:s19+$0xFFFFFFC0] =	vst v0;
	v0 =	vmul.f32 $1.131370830e+01, v2  }
0xb1: {  	[tilespmem:s19+$0xFFFFFFD0] =	vst v1;
	v1 =	vmul.f32 $1.131370830e+01, v3  }
0xb2: {  	v2 =	vmul.f32 $1.131370830e+01, v4;
	[tilespmem:s19+$0xFFFFFFE0] =	vst v0  }
0xb3: {  	[tilespmem:s19+$0xFFFFFFF0] =	vst v1  }
0xb4: {  	[tilespmem:s19+$0xFFFFFE10] =	vst v2  }
0xb5: {  	[hbm4b:s6+s3] =	stream.linear.scatter [tilespmem:s15], [sflag:$0x7], $0x3400, $0x38;
	[tilespmem:$0x10200] =	vst v63  }
0xb6: {  	_ =	swait.ge [sflag:s25], $0x3400  }
0xb7: {  	[sflag:s25] =	ssyncset.done $0x0  }
0xb8: {  	s19 =	simm.s32 $0x6E00;
	[sflag:s25] =	ssyncadd.s32 $0xFFFFCC00  }
0xb9: {  	v0 =	vld [tilespmem:s19+$0x1F0]  }
0xba: {  	v1 =	vld [tilespmem:s19+$0x10]  }
0xbb: {  	v2 =	vld [tilespmem:s19+$0x20]  }
0xbc: {  	v3 =	vld [tilespmem:s19+$0x30]  }
0xbd: {  	v6 =	vld [tilespmem:s19+$0x60]  }
0xbe: {  	v4 =	vld [tilespmem:s19+$0x40]  }
0xbf: {  	v5 =	vld [tilespmem:s19+$0x50];
	v0 =	vmul.f32 $1.131370830e+01, v0  }
0xc0: {  	v8 =	vld [tilespmem:s19+$0x80];
	v1 =	vmul.f32 $1.131370830e+01, v1  }
0xc1: {  	v7 =	vld [tilespmem:s19+$0x70];
	v2 =	vmul.f32 $1.131370830e+01, v2;
	[tilespmem:s19+$0x1F0] =	vst v0  }
0xc2: {  	v6 =	vmul.f32 $1.131370830e+01, v6;
	v0 =	vld [tilespmem:s19+$0x90];
	[tilespmem:s19+$0x10] =	vst v1  }
0xc3: {  	v1 =	vmul.f32 $1.131370830e+01, v3;
	v3 =	vld [tilespmem:s19+$0xA0];
	[tilespmem:s19+$0x20] =	vst v2;
	v2 =	vmul.f32 $1.131370830e+01, v4  }
0xc4: {  	[tilespmem:s19+$0x60] =	vst v6;
	v6 =	vld [tilespmem:s19+$0xF0]  }
0xc5: {  	v4 =	vld [tilespmem:s19+$0xB0];
	[tilespmem:s19+$0x40] =	vst v2;
	v2 =	vmul.f32 $1.131370830e+01, v8  }
0xc6: {  	[tilespmem:s19+$0x30] =	vst v1;
	v1 =	vmul.f32 $1.131370830e+01, v5;
	v5 =	vld [tilespmem:s19+$0xC0]  }
0xc7: {  	v8 =	vld [tilespmem:s19+$0xD0];
	[tilespmem:s19+$0x80] =	vst v2;
	v2 =	vmul.f32 $1.131370830e+01, v7  }
0xc8: {  	[tilespmem:s19+$0x50] =	vst v1;
	v1 =	vld [tilespmem:s19+$0xE0];
	v0 =	vmul.f32 $1.131370830e+01, v0  }
0xc9: {  	v7 =	vld [tilespmem:s19+$0x130];
	v6 =	vmul.f32 $1.131370830e+01, v6;
	[tilespmem:s19+$0x70] =	vst v2  }
0xca: {  	v2 =	vmul.f32 $1.131370830e+01, v3;
	v3 =	vld [tilespmem:s19+$0x100];
	[tilespmem:s19+$0x90] =	vst v0  }
0xcb: {  	v0 =	vmul.f32 $1.131370830e+01, v4;
	v4 =	vld [tilespmem:s19+$0x110];
	[tilespmem:s19+$0xF0] =	vst v6  }
0xcc: {  	[tilespmem:s19+$0xA0] =	vst v2;
	v2 =	vmul.f32 $1.131370830e+01, v5;
	v5 =	vld [tilespmem:s19+$0x120]  }
0xcd: {  	v6 =	vld [tilespmem:s19+$0x180];
	[tilespmem:s19+$0xB0] =	vst v0;
	v0 =	vmul.f32 $1.131370830e+01, v8  }
0xce: {  	v1 =	vmul.f32 $1.131370830e+01, v1;
	[tilespmem:s19+$0xC0] =	vst v2;
	v2 =	vld [tilespmem:s19+$0x140]  }
0xcf: {  	[tilespmem:s19+$0xD0] =	vst v0;
	v0 =	vmul.f32 $1.131370830e+01, v3  }
0xd0: {  	v3 =	vld [tilespmem:s19+$0x150];
	[tilespmem:s19+$0xE0] =	vst v1;
	v4 =	vmul.f32 $1.131370830e+01, v4  }
0xd1: {  	v1 =	vld [tilespmem:s19+$0x160];
	[tilespmem:s19+$0x100] =	vst v0;
	v0 =	vmul.f32 $1.131370830e+01, v5  }
0xd2: {  	v6 =	vmul.f32 $1.131370830e+01, v6;
	v5 =	vld [tilespmem:s19+$0x170];
	[tilespmem:s19+$0x110] =	vst v4  }
0xd3: {  	v4 =	vmul.f32 $1.131370830e+01, v7;
	v7 =	vld [tilespmem:s19+$0x190];
	[tilespmem:s19+$0x120] =	vst v0;
	v0 =	vmul.f32 $1.131370830e+01, v2  }
0xd4: {  	v8 =	vld [tilespmem:s19+$0x1A0];
	[tilespmem:s19+$0x180] =	vst v6  }
0xd5: {  	v2 =	vmul.f32 $1.131370830e+01, v3;
	[tilespmem:s19+$0x140] =	vst v0;
	v0 =	vld [tilespmem:s19+$0x1B0]  }
0xd6: {  	[tilespmem:s19+$0x130] =	vst v4;
	v3 =	vmul.f32 $1.131370830e+01, v1;
	v1 =	vld [tilespmem:s19+$0x1C0]  }
0xd7: {  	[tilespmem:s19+$0x150] =	vst v2;
	v4 =	vmul.f32 $1.131370830e+01, v5;
	v2 =	vld [tilespmem:s19+$0x1D0]  }
0xd8: {  	[tilespmem:s19+$0x160] =	vst v3;
	v3 =	vld [tilespmem:s19+$0x1E0];
	v5 =	vmul.f32 $1.131370830e+01, v7  }
0xd9: {  	s21 =	simm.s32 $0xD8;
	s12 =	simm.s32 $0x7000;
	v6 =	vmul.f32 $1.131370830e+01, v8;
	[tilespmem:s19+$0x170] =	vst v4;
	v4 =	vld [tilespmem:s19+$0x0]  }
.LBB2_6:
0xda: {  	v7 =	vld [tilespmem:s12+$0x1F0];
	s21 =	sadd.s32 $0x4, s21;
	[tilespmem:s19+$0x190] =	vst v5;
	v0 =	vmul.f32 $1.131370830e+01, v0  }
0xdb: {  	v5 =	vld [tilespmem:s12+$0x10];
	p0 =	slt.u32 s21, $0x13C;
	[tilespmem:s19+$0x1A0] =	vst v6;
	v1 =	vmul.f32 $1.131370830e+01, v1  }
0xdc: {  	v6 =	vld [tilespmem:s12+$0x20];
	[tilespmem:s19+$0x1B0] =	vst v0;
	v0 =	vmul.f32 $1.131370830e+01, v2  }
0xdd: {  	v2 =	vld [tilespmem:s12+$0x30];
	[tilespmem:s19+$0x1C0] =	vst v1;
	v1 =	vmul.f32 $1.131370830e+01, v3  }
0xde: {  	v3 =	vld [tilespmem:s12+$0x40];
	v4 =	vmul.f32 $1.131370830e+01, v4;
	[tilespmem:s19+$0x1D0] =	vst v0  }
0xdf: {  	v0 =	vld [tilespmem:s12+$0x50];
	v7 =	vmul.f32 $1.131370830e+01, v7;
	[tilespmem:s19+$0x1E0] =	vst v1  }
0xe0: {  	v1 =	vmul.f32 $1.131370830e+01, v5;
	v5 =	vld [tilespmem:s12+$0x60];
	[tilespmem:s19+$0x0] =	vst v4;
	s19 =	smov.u32 s12  }
0xe1: {  	v4 =	vmul.f32 $1.131370830e+01, v6;
	v6 =	vld [tilespmem:s12+$0x70];
	[tilespmem:s12+$0x1F0] =	vst v7  }
0xe2: {  	[tilespmem:s12+$0x10] =	vst v1;
	v1 =	vmul.f32 $1.131370830e+01, v2;
	v2 =	vld [tilespmem:s12+$0x80]  }
0xe3: {  	[tilespmem:s12+$0x20] =	vst v4;
	v3 =	vmul.f32 $1.131370830e+01, v3;
	v4 =	vld [tilespmem:s12+$0x90]  }
0xe4: {  	[tilespmem:s12+$0x30] =	vst v1;
	v0 =	vmul.f32 $1.131370830e+01, v0;
	v1 =	vld [tilespmem:s12+$0xA0]  }
0xe5: {  	[tilespmem:s12+$0x40] =	vst v3;
	v3 =	vmul.f32 $1.131370830e+01, v5;
	v5 =	vld [tilespmem:s12+$0xB0]  }
0xe6: {  	[tilespmem:s12+$0x50] =	vst v0;
	v0 =	vmul.f32 $1.131370830e+01, v6;
	v6 =	vld [tilespmem:s12+$0xC0]  }
0xe7: {  	[tilespmem:s12+$0x60] =	vst v3;
	v2 =	vmul.f32 $1.131370830e+01, v2;
	v3 =	vld [tilespmem:s12+$0xD0]  }
0xe8: {  	[tilespmem:s12+$0x70] =	vst v0;
	v0 =	vmul.f32 $1.131370830e+01, v4;
	v4 =	vld [tilespmem:s12+$0xE0]  }
0xe9: {  	[tilespmem:s12+$0x80] =	vst v2;
	v1 =	vmul.f32 $1.131370830e+01, v1;
	v2 =	vld [tilespmem:s12+$0xF0]  }
0xea: {  	[tilespmem:s12+$0x90] =	vst v0;
	v0 =	vmul.f32 $1.131370830e+01, v5;
	v5 =	vld [tilespmem:s12+$0x100]  }
0xeb: {  	[tilespmem:s12+$0xA0] =	vst v1;
	v1 =	vmul.f32 $1.131370830e+01, v6;
	v6 =	vld [tilespmem:s12+$0x110]  }
0xec: {  	[tilespmem:s12+$0xB0] =	vst v0;
	v0 =	vmul.f32 $1.131370830e+01, v3;
	v3 =	vld [tilespmem:s12+$0x120]  }
0xed: {  	[tilespmem:s12+$0xC0] =	vst v1;
	v1 =	vmul.f32 $1.131370830e+01, v4;
	v4 =	vld [tilespmem:s12+$0x130]  }
0xee: {  	[tilespmem:s12+$0xD0] =	vst v0;
	v0 =	vmul.f32 $1.131370830e+01, v2;
	v2 =	vld [tilespmem:s12+$0x140]  }
0xef: {  	[tilespmem:s12+$0xE0] =	vst v1;
	v1 =	vmul.f32 $1.131370830e+01, v5;
	v5 =	vld [tilespmem:s12+$0x150]  }
0xf0: {  	[tilespmem:s12+$0xF0] =	vst v0;
	v0 =	vmul.f32 $1.131370830e+01, v6;
	v6 =	vld [tilespmem:s12+$0x160]  }
0xf1: {  	[tilespmem:s12+$0x100] =	vst v1;
	v1 =	vmul.f32 $1.131370830e+01, v3;
	v3 =	vld [tilespmem:s12+$0x170]  }
0xf2: {  	[tilespmem:s12+$0x110] =	vst v0;
	v0 =	vmul.f32 $1.131370830e+01, v4;
	v4 =	vld [tilespmem:s12+$0x180]  }
0xf3: {  	[tilespmem:s12+$0x120] =	vst v1;
	v1 =	vmul.f32 $1.131370830e+01, v2;
	v7 =	vld [tilespmem:s12+$0x190]  }
0xf4: {  	[tilespmem:s12+$0x130] =	vst v0;
	v2 =	vmul.f32 $1.131370830e+01, v5;
	v8 =	vld [tilespmem:s12+$0x1A0]  }
.Ltmp2:
0xf5: {  	[tilespmem:s12+$0x140] =	vst v1;
	v5 =	vmul.f32 $1.131370830e+01, v6;
	v0 =	vld [tilespmem:s12+$0x1B0];
	(pc) =	sbr.rel @p0 .LBB2_6-.Ltmp2, $4  }
0xf6: {  	[tilespmem:s12+$0x150] =	vst v2;
	v3 =	vmul.f32 $1.131370830e+01, v3;
	v1 =	vld [tilespmem:s12+$0x1C0]  }
0xf7: {  	[tilespmem:s12+$0x160] =	vst v5;
	v6 =	vmul.f32 $1.131370830e+01, v4;
	v2 =	vld [tilespmem:s12+$0x1D0]  }
0xf8: {  	[tilespmem:s12+$0x170] =	vst v3;
	v5 =	vmul.f32 $1.131370830e+01, v7;
	v3 =	vld [tilespmem:s12+$0x1E0]  }
0xf9: {  	s12 =	sadd.s32 $0x200, s12;
	v4 =	vld [tilespmem:s19+$0x0];
	[tilespmem:s19+$0x180] =	vst v6;
	v6 =	vmul.f32 $1.131370830e+01, v8  }
0xfa: {  	[tilespmem:s19+$0x190] =	vst v5;
	v0 =	vmul.f32 $1.131370830e+01, v0  }
0xfb: {  	[tilespmem:s19+$0x1A0] =	vst v6;
	v1 =	vmul.f32 $1.131370830e+01, v1  }
0xfc: {  	[tilespmem:s19+$0x1B0] =	vst v0;
	v0 =	vmul.f32 $1.131370830e+01, v2  }
0xfd: {  	[tilespmem:s19+$0x1C0] =	vst v1;
	v1 =	vmul.f32 $1.131370830e+01, v3  }
0xfe: {  	v2 =	vmul.f32 $1.131370830e+01, v4;
	[tilespmem:s19+$0x1D0] =	vst v0  }
0xff: {  	[tilespmem:s19+$0x1E0] =	vst v1  }
0x100: {  	[tilespmem:s19+$0x0] =	vst v2  }
0x101: {  	[hbm4b:s7+s3] =	stream.linear.scatter [tilespmem:s17], [sflag:$0x8], $0x3400, $0x38;
	[tilespmem:$0x10200] =	vst v63  }
0x102: {  	_ =	swait.ge [sflag:s26], $0x3000  }
0x103: {  	[sflag:s26] =	ssyncset.done $0x0  }
0x104: {  	s19 =	simm.s32 $0xA200;
	[sflag:s26] =	ssyncadd.s32 $0xFFFFD000  }
0x105: {  	v0 =	vld [tilespmem:s19+$0x1F0]  }
0x106: {  	v1 =	vld [tilespmem:s19+$0x10]  }
0x107: {  	v2 =	vld [tilespmem:s19+$0x20]  }
0x108: {  	v3 =	vld [tilespmem:s19+$0x30]  }
0x109: {  	v6 =	vld [tilespmem:s19+$0x60]  }
0x10a: {  	v4 =	vld [tilespmem:s19+$0x40]  }
0x10b: {  	v5 =	vld [tilespmem:s19+$0x50];
	v0 =	vmul.f32 $1.131370830e+01, v0  }
0x10c: {  	v8 =	vld [tilespmem:s19+$0x80];
	v1 =	vmul.f32 $1.131370830e+01, v1  }
0x10d: {  	v7 =	vld [tilespmem:s19+$0x70];
	v2 =	vmul.f32 $1.131370830e+01, v2;
	[tilespmem:s19+$0x1F0] =	vst v0  }
0x10e: {  	v6 =	vmul.f32 $1.131370830e+01, v6;
	v0 =	vld [tilespmem:s19+$0x90];
	[tilespmem:s19+$0x10] =	vst v1  }
0x10f: {  	v1 =	vmul.f32 $1.131370830e+01, v3;
	v3 =	vld [tilespmem:s19+$0xA0];
	[tilespmem:s19+$0x20] =	vst v2;
	v2 =	vmul.f32 $1.131370830e+01, v4  }
0x110: {  	[tilespmem:s19+$0x60] =	vst v6;
	v6 =	vld [tilespmem:s19+$0xF0]  }
0x111: {  	v4 =	vld [tilespmem:s19+$0xB0];
	[tilespmem:s19+$0x40] =	vst v2;
	v2 =	vmul.f32 $1.131370830e+01, v8  }
0x112: {  	[tilespmem:s19+$0x30] =	vst v1;
	v1 =	vmul.f32 $1.131370830e+01, v5;
	v5 =	vld [tilespmem:s19+$0xC0]  }
0x113: {  	v8 =	vld [tilespmem:s19+$0xD0];
	[tilespmem:s19+$0x80] =	vst v2;
	v2 =	vmul.f32 $1.131370830e+01, v7  }
0x114: {  	[tilespmem:s19+$0x50] =	vst v1;
	v1 =	vld [tilespmem:s19+$0xE0];
	v0 =	vmul.f32 $1.131370830e+01, v0  }
0x115: {  	v7 =	vld [tilespmem:s19+$0x130];
	v6 =	vmul.f32 $1.131370830e+01, v6;
	[tilespmem:s19+$0x70] =	vst v2  }
0x116: {  	v2 =	vmul.f32 $1.131370830e+01, v3;
	v3 =	vld [tilespmem:s19+$0x100];
	[tilespmem:s19+$0x90] =	vst v0  }
0x117: {  	v0 =	vmul.f32 $1.131370830e+01, v4;
	v4 =	vld [tilespmem:s19+$0x110];
	[tilespmem:s19+$0xF0] =	vst v6  }
0x118: {  	[tilespmem:s19+$0xA0] =	vst v2;
	v2 =	vmul.f32 $1.131370830e+01, v5;
	v5 =	vld [tilespmem:s19+$0x120]  }
0x119: {  	v6 =	vld [tilespmem:s19+$0x180];
	[tilespmem:s19+$0xB0] =	vst v0;
	v0 =	vmul.f32 $1.131370830e+01, v8  }
0x11a: {  	v1 =	vmul.f32 $1.131370830e+01, v1;
	[tilespmem:s19+$0xC0] =	vst v2;
	v2 =	vld [tilespmem:s19+$0x140]  }
0x11b: {  	[tilespmem:s19+$0xD0] =	vst v0;
	v0 =	vmul.f32 $1.131370830e+01, v3  }
0x11c: {  	v3 =	vld [tilespmem:s19+$0x150];
	[tilespmem:s19+$0xE0] =	vst v1;
	v4 =	vmul.f32 $1.131370830e+01, v4  }
0x11d: {  	v1 =	vld [tilespmem:s19+$0x160];
	[tilespmem:s19+$0x100] =	vst v0;
	v0 =	vmul.f32 $1.131370830e+01, v5  }
0x11e: {  	v6 =	vmul.f32 $1.131370830e+01, v6;
	v5 =	vld [tilespmem:s19+$0x170];
	[tilespmem:s19+$0x110] =	vst v4  }
0x11f: {  	v4 =	vmul.f32 $1.131370830e+01, v7;
	v7 =	vld [tilespmem:s19+$0x190];
	[tilespmem:s19+$0x120] =	vst v0;
	v0 =	vmul.f32 $1.131370830e+01, v2  }
0x120: {  	v8 =	vld [tilespmem:s19+$0x1A0];
	[tilespmem:s19+$0x180] =	vst v6  }
0x121: {  	v2 =	vmul.f32 $1.131370830e+01, v3;
	[tilespmem:s19+$0x140] =	vst v0;
	v0 =	vld [tilespmem:s19+$0x1B0]  }
0x122: {  	[tilespmem:s19+$0x130] =	vst v4;
	v3 =	vmul.f32 $1.131370830e+01, v1;
	v1 =	vld [tilespmem:s19+$0x1C0]  }
0x123: {  	[tilespmem:s19+$0x150] =	vst v2;
	v4 =	vmul.f32 $1.131370830e+01, v5;
	v2 =	vld [tilespmem:s19+$0x1D0]  }
0x124: {  	[tilespmem:s19+$0x160] =	vst v3;
	v3 =	vld [tilespmem:s19+$0x1E0];
	v5 =	vmul.f32 $1.131370830e+01, v7  }
0x125: {  	s21 =	simm.s32 $0x140;
	s12 =	simm.s32 $0xA400;
	v6 =	vmul.f32 $1.131370830e+01, v8;
	[tilespmem:s19+$0x170] =	vst v4;
	v4 =	vld [tilespmem:s19+$0x0]  }
.LBB2_8:
0x126: {  	v7 =	vld [tilespmem:s12+$0x1F0];
	s21 =	sadd.s32 $0x4, s21;
	[tilespmem:s19+$0x190] =	vst v5;
	v0 =	vmul.f32 $1.131370830e+01, v0  }
0x127: {  	v5 =	vld [tilespmem:s12+$0x10];
	p0 =	slt.u32 s21, $0x19C;
	[tilespmem:s19+$0x1A0] =	vst v6;
	v1 =	vmul.f32 $1.131370830e+01, v1  }
0x128: {  	v6 =	vld [tilespmem:s12+$0x20];
	[tilespmem:s19+$0x1B0] =	vst v0;
	v0 =	vmul.f32 $1.131370830e+01, v2  }
0x129: {  	v2 =	vld [tilespmem:s12+$0x30];
	[tilespmem:s19+$0x1C0] =	vst v1;
	v1 =	vmul.f32 $1.131370830e+01, v3  }
0x12a: {  	v3 =	vld [tilespmem:s12+$0x40];
	v4 =	vmul.f32 $1.131370830e+01, v4;
	[tilespmem:s19+$0x1D0] =	vst v0  }
0x12b: {  	v0 =	vld [tilespmem:s12+$0x50];
	v7 =	vmul.f32 $1.131370830e+01, v7;
	[tilespmem:s19+$0x1E0] =	vst v1  }
0x12c: {  	v1 =	vmul.f32 $1.131370830e+01, v5;
	v5 =	vld [tilespmem:s12+$0x60];
	[tilespmem:s19+$0x0] =	vst v4;
	s19 =	smov.u32 s12  }
0x12d: {  	v4 =	vmul.f32 $1.131370830e+01, v6;
	v6 =	vld [tilespmem:s12+$0x70];
	[tilespmem:s12+$0x1F0] =	vst v7  }
0x12e: {  	[tilespmem:s12+$0x10] =	vst v1;
	v1 =	vmul.f32 $1.131370830e+01, v2;
	v2 =	vld [tilespmem:s12+$0x80]  }
0x12f: {  	[tilespmem:s12+$0x20] =	vst v4;
	v3 =	vmul.f32 $1.131370830e+01, v3;
	v4 =	vld [tilespmem:s12+$0x90]  }
0x130: {  	[tilespmem:s12+$0x30] =	vst v1;
	v0 =	vmul.f32 $1.131370830e+01, v0;
	v1 =	vld [tilespmem:s12+$0xA0]  }
0x131: {  	[tilespmem:s12+$0x40] =	vst v3;
	v3 =	vmul.f32 $1.131370830e+01, v5;
	v5 =	vld [tilespmem:s12+$0xB0]  }
0x132: {  	[tilespmem:s12+$0x50] =	vst v0;
	v0 =	vmul.f32 $1.131370830e+01, v6;
	v6 =	vld [tilespmem:s12+$0xC0]  }
0x133: {  	[tilespmem:s12+$0x60] =	vst v3;
	v2 =	vmul.f32 $1.131370830e+01, v2;
	v3 =	vld [tilespmem:s12+$0xD0]  }
0x134: {  	[tilespmem:s12+$0x70] =	vst v0;
	v0 =	vmul.f32 $1.131370830e+01, v4;
	v4 =	vld [tilespmem:s12+$0xE0]  }
0x135: {  	[tilespmem:s12+$0x80] =	vst v2;
	v1 =	vmul.f32 $1.131370830e+01, v1;
	v2 =	vld [tilespmem:s12+$0xF0]  }
0x136: {  	[tilespmem:s12+$0x90] =	vst v0;
	v0 =	vmul.f32 $1.131370830e+01, v5;
	v5 =	vld [tilespmem:s12+$0x100]  }
0x137: {  	[tilespmem:s12+$0xA0] =	vst v1;
	v1 =	vmul.f32 $1.131370830e+01, v6;
	v6 =	vld [tilespmem:s12+$0x110]  }
0x138: {  	[tilespmem:s12+$0xB0] =	vst v0;
	v0 =	vmul.f32 $1.131370830e+01, v3;
	v3 =	vld [tilespmem:s12+$0x120]  }
0x139: {  	[tilespmem:s12+$0xC0] =	vst v1;
	v1 =	vmul.f32 $1.131370830e+01, v4;
	v4 =	vld [tilespmem:s12+$0x130]  }
0x13a: {  	[tilespmem:s12+$0xD0] =	vst v0;
	v0 =	vmul.f32 $1.131370830e+01, v2;
	v2 =	vld [tilespmem:s12+$0x140]  }
0x13b: {  	[tilespmem:s12+$0xE0] =	vst v1;
	v1 =	vmul.f32 $1.131370830e+01, v5;
	v5 =	vld [tilespmem:s12+$0x150]  }
0x13c: {  	[tilespmem:s12+$0xF0] =	vst v0;
	v0 =	vmul.f32 $1.131370830e+01, v6;
	v6 =	vld [tilespmem:s12+$0x160]  }
0x13d: {  	[tilespmem:s12+$0x100] =	vst v1;
	v1 =	vmul.f32 $1.131370830e+01, v3;
	v3 =	vld [tilespmem:s12+$0x170]  }
0x13e: {  	[tilespmem:s12+$0x110] =	vst v0;
	v0 =	vmul.f32 $1.131370830e+01, v4;
	v4 =	vld [tilespmem:s12+$0x180]  }
0x13f: {  	[tilespmem:s12+$0x120] =	vst v1;
	v1 =	vmul.f32 $1.131370830e+01, v2;
	v7 =	vld [tilespmem:s12+$0x190]  }
0x140: {  	[tilespmem:s12+$0x130] =	vst v0;
	v2 =	vmul.f32 $1.131370830e+01, v5;
	v8 =	vld [tilespmem:s12+$0x1A0]  }
.Ltmp3:
0x141: {  	[tilespmem:s12+$0x140] =	vst v1;
	v5 =	vmul.f32 $1.131370830e+01, v6;
	v0 =	vld [tilespmem:s12+$0x1B0];
	(pc) =	sbr.rel @p0 .LBB2_8-.Ltmp3, $4  }
0x142: {  	[tilespmem:s12+$0x150] =	vst v2;
	v3 =	vmul.f32 $1.131370830e+01, v3;
	v1 =	vld [tilespmem:s12+$0x1C0]  }
0x143: {  	[tilespmem:s12+$0x160] =	vst v5;
	v6 =	vmul.f32 $1.131370830e+01, v4;
	v2 =	vld [tilespmem:s12+$0x1D0]  }
0x144: {  	[tilespmem:s12+$0x170] =	vst v3;
	v5 =	vmul.f32 $1.131370830e+01, v7;
	v3 =	vld [tilespmem:s12+$0x1E0]  }
0x145: {  	s12 =	sadd.s32 $0x200, s12;
	v4 =	vld [tilespmem:s19+$0x0];
	[tilespmem:s19+$0x180] =	vst v6;
	v6 =	vmul.f32 $1.131370830e+01, v8  }
0x146: {  	[tilespmem:s19+$0x190] =	vst v5;
	v0 =	vmul.f32 $1.131370830e+01, v0  }
0x147: {  	[tilespmem:s19+$0x1A0] =	vst v6;
	v1 =	vmul.f32 $1.131370830e+01, v1  }
0x148: {  	[tilespmem:s19+$0x1B0] =	vst v0;
	v0 =	vmul.f32 $1.131370830e+01, v2  }
0x149: {  	[tilespmem:s19+$0x1C0] =	vst v1;
	v1 =	vmul.f32 $1.131370830e+01, v3  }
0x14a: {  	v2 =	vmul.f32 $1.131370830e+01, v4;
	[tilespmem:s19+$0x1D0] =	vst v0  }
0x14b: {  	[tilespmem:s19+$0x1E0] =	vst v1  }
0x14c: {  	[tilespmem:s19+$0x0] =	vst v2  }
0x14d: {  	[hbm4b:s8+s3] =	stream.linear.scatter [tilespmem:s20], [sflag:$0x9], $0x3000, $0x38;
	[tilespmem:$0x10200] =	vst v63  }
0x14e: {  	_ =	swait.ge [sflag:s28], $0x3000  }
0x14f: {  	[sflag:s28] =	ssyncset.done $0x0  }
0x150: {  	s19 =	simm.s32 $0xD200;
	[sflag:s28] =	ssyncadd.s32 $0xFFFFD000  }
0x151: {  	v0 =	vld [tilespmem:s19+$0x1F0]  }
0x152: {  	v1 =	vld [tilespmem:s19+$0x10]  }
0x153: {  	v2 =	vld [tilespmem:s19+$0x20]  }
0x154: {  	v3 =	vld [tilespmem:s19+$0x30]  }
0x155: {  	v6 =	vld [tilespmem:s19+$0x60]  }
0x156: {  	v4 =	vld [tilespmem:s19+$0x40]  }
0x157: {  	v5 =	vld [tilespmem:s19+$0x50];
	v0 =	vmul.f32 $1.131370830e+01, v0  }
0x158: {  	v8 =	vld [tilespmem:s19+$0x80];
	v1 =	vmul.f32 $1.131370830e+01, v1  }
0x159: {  	v7 =	vld [tilespmem:s19+$0x70];
	v2 =	vmul.f32 $1.131370830e+01, v2;
	[tilespmem:s19+$0x1F0] =	vst v0  }
0x15a: {  	v6 =	vmul.f32 $1.131370830e+01, v6;
	v0 =	vld [tilespmem:s19+$0x90];
	[tilespmem:s19+$0x10] =	vst v1  }
0x15b: {  	v1 =	vmul.f32 $1.131370830e+01, v3;
	v3 =	vld [tilespmem:s19+$0xA0];
	[tilespmem:s19+$0x20] =	vst v2;
	v2 =	vmul.f32 $1.131370830e+01, v4  }
0x15c: {  	[tilespmem:s19+$0x60] =	vst v6;
	v6 =	vld [tilespmem:s19+$0xF0]  }
0x15d: {  	v4 =	vld [tilespmem:s19+$0xB0];
	[tilespmem:s19+$0x40] =	vst v2;
	v2 =	vmul.f32 $1.131370830e+01, v8  }
0x15e: {  	[tilespmem:s19+$0x30] =	vst v1;
	v1 =	vmul.f32 $1.131370830e+01, v5;
	v5 =	vld [tilespmem:s19+$0xC0]  }
0x15f: {  	v8 =	vld [tilespmem:s19+$0xD0];
	[tilespmem:s19+$0x80] =	vst v2;
	v2 =	vmul.f32 $1.131370830e+01, v7  }
0x160: {  	[tilespmem:s19+$0x50] =	vst v1;
	v1 =	vld [tilespmem:s19+$0xE0];
	v0 =	vmul.f32 $1.131370830e+01, v0  }
0x161: {  	v7 =	vld [tilespmem:s19+$0x130];
	v6 =	vmul.f32 $1.131370830e+01, v6;
	[tilespmem:s19+$0x70] =	vst v2  }
0x162: {  	v2 =	vmul.f32 $1.131370830e+01, v3;
	v3 =	vld [tilespmem:s19+$0x100];
	[tilespmem:s19+$0x90] =	vst v0  }
0x163: {  	v0 =	vmul.f32 $1.131370830e+01, v4;
	v4 =	vld [tilespmem:s19+$0x110];
	[tilespmem:s19+$0xF0] =	vst v6  }
0x164: {  	[tilespmem:s19+$0xA0] =	vst v2;
	v2 =	vmul.f32 $1.131370830e+01, v5;
	v5 =	vld [tilespmem:s19+$0x120]  }
0x165: {  	v6 =	vld [tilespmem:s19+$0x180];
	[tilespmem:s19+$0xB0] =	vst v0;
	v0 =	vmul.f32 $1.131370830e+01, v8  }
0x166: {  	v1 =	vmul.f32 $1.131370830e+01, v1;
	[tilespmem:s19+$0xC0] =	vst v2;
	v2 =	vld [tilespmem:s19+$0x140]  }
0x167: {  	[tilespmem:s19+$0xD0] =	vst v0;
	v0 =	vmul.f32 $1.131370830e+01, v3  }
0x168: {  	v3 =	vld [tilespmem:s19+$0x150];
	[tilespmem:s19+$0xE0] =	vst v1;
	v4 =	vmul.f32 $1.131370830e+01, v4  }
0x169: {  	v1 =	vld [tilespmem:s19+$0x160];
	[tilespmem:s19+$0x100] =	vst v0;
	v0 =	vmul.f32 $1.131370830e+01, v5  }
0x16a: {  	v6 =	vmul.f32 $1.131370830e+01, v6;
	v5 =	vld [tilespmem:s19+$0x170];
	[tilespmem:s19+$0x110] =	vst v4  }
0x16b: {  	v4 =	vmul.f32 $1.131370830e+01, v7;
	v7 =	vld [tilespmem:s19+$0x190];
	[tilespmem:s19+$0x120] =	vst v0;
	v0 =	vmul.f32 $1.131370830e+01, v2  }
0x16c: {  	v8 =	vld [tilespmem:s19+$0x1A0];
	[tilespmem:s19+$0x180] =	vst v6  }
0x16d: {  	v2 =	vmul.f32 $1.131370830e+01, v3;
	[tilespmem:s19+$0x140] =	vst v0;
	v0 =	vld [tilespmem:s19+$0x1B0]  }
0x16e: {  	[tilespmem:s19+$0x130] =	vst v4;
	v3 =	vmul.f32 $1.131370830e+01, v1;
	v1 =	vld [tilespmem:s19+$0x1C0]  }
0x16f: {  	[tilespmem:s19+$0x150] =	vst v2;
	v4 =	vmul.f32 $1.131370830e+01, v5;
	v2 =	vld [tilespmem:s19+$0x1D0]  }
0x170: {  	[tilespmem:s19+$0x160] =	vst v3;
	v3 =	vld [tilespmem:s19+$0x1E0];
	v5 =	vmul.f32 $1.131370830e+01, v7  }
0x171: {  	s21 =	simm.s32 $0x1A0;
	s12 =	simm.s32 $0xD400;
	v6 =	vmul.f32 $1.131370830e+01, v8;
	[tilespmem:s19+$0x170] =	vst v4;
	v4 =	vld [tilespmem:s19+$0x0]  }
.LBB2_10:
0x172: {  	v7 =	vld [tilespmem:s12+$0x1F0];
	s21 =	sadd.s32 $0x4, s21;
	[tilespmem:s19+$0x190] =	vst v5;
	v0 =	vmul.f32 $1.131370830e+01, v0  }
0x173: {  	v5 =	vld [tilespmem:s12+$0x10];
	p0 =	slt.u32 s21, $0x1FC;
	[tilespmem:s19+$0x1A0] =	vst v6;
	v1 =	vmul.f32 $1.131370830e+01, v1  }
0x174: {  	v6 =	vld [tilespmem:s12+$0x20];
	[tilespmem:s19+$0x1B0] =	vst v0;
	v0 =	vmul.f32 $1.131370830e+01, v2  }
0x175: {  	v2 =	vld [tilespmem:s12+$0x30];
	[tilespmem:s19+$0x1C0] =	vst v1;
	v1 =	vmul.f32 $1.131370830e+01, v3  }
0x176: {  	v3 =	vld [tilespmem:s12+$0x40];
	v4 =	vmul.f32 $1.131370830e+01, v4;
	[tilespmem:s19+$0x1D0] =	vst v0  }
0x177: {  	v0 =	vld [tilespmem:s12+$0x50];
	v7 =	vmul.f32 $1.131370830e+01, v7;
	[tilespmem:s19+$0x1E0] =	vst v1  }
0x178: {  	v1 =	vmul.f32 $1.131370830e+01, v5;
	v5 =	vld [tilespmem:s12+$0x60];
	[tilespmem:s19+$0x0] =	vst v4;
	s19 =	smov.u32 s12  }
0x179: {  	v4 =	vmul.f32 $1.131370830e+01, v6;
	v6 =	vld [tilespmem:s12+$0x70];
	[tilespmem:s12+$0x1F0] =	vst v7  }
0x17a: {  	[tilespmem:s12+$0x10] =	vst v1;
	v1 =	vmul.f32 $1.131370830e+01, v2;
	v2 =	vld [tilespmem:s12+$0x80]  }
0x17b: {  	[tilespmem:s12+$0x20] =	vst v4;
	v3 =	vmul.f32 $1.131370830e+01, v3;
	v4 =	vld [tilespmem:s12+$0x90]  }
0x17c: {  	[tilespmem:s12+$0x30] =	vst v1;
	v0 =	vmul.f32 $1.131370830e+01, v0;
	v1 =	vld [tilespmem:s12+$0xA0]  }
0x17d: {  	[tilespmem:s12+$0x40] =	vst v3;
	v3 =	vmul.f32 $1.131370830e+01, v5;
	v5 =	vld [tilespmem:s12+$0xB0]  }
0x17e: {  	[tilespmem:s12+$0x50] =	vst v0;
	v0 =	vmul.f32 $1.131370830e+01, v6;
	v6 =	vld [tilespmem:s12+$0xC0]  }
0x17f: {  	[tilespmem:s12+$0x60] =	vst v3;
	v2 =	vmul.f32 $1.131370830e+01, v2;
	v3 =	vld [tilespmem:s12+$0xD0]  }
0x180: {  	[tilespmem:s12+$0x70] =	vst v0;
	v0 =	vmul.f32 $1.131370830e+01, v4;
	v4 =	vld [tilespmem:s12+$0xE0]  }
0x181: {  	[tilespmem:s12+$0x80] =	vst v2;
	v1 =	vmul.f32 $1.131370830e+01, v1;
	v2 =	vld [tilespmem:s12+$0xF0]  }
0x182: {  	[tilespmem:s12+$0x90] =	vst v0;
	v0 =	vmul.f32 $1.131370830e+01, v5;
	v5 =	vld [tilespmem:s12+$0x100]  }
0x183: {  	[tilespmem:s12+$0xA0] =	vst v1;
	v1 =	vmul.f32 $1.131370830e+01, v6;
	v6 =	vld [tilespmem:s12+$0x110]  }
0x184: {  	[tilespmem:s12+$0xB0] =	vst v0;
	v0 =	vmul.f32 $1.131370830e+01, v3;
	v3 =	vld [tilespmem:s12+$0x120]  }
0x185: {  	[tilespmem:s12+$0xC0] =	vst v1;
	v1 =	vmul.f32 $1.131370830e+01, v4;
	v4 =	vld [tilespmem:s12+$0x130]  }
0x186: {  	[tilespmem:s12+$0xD0] =	vst v0;
	v0 =	vmul.f32 $1.131370830e+01, v2;
	v2 =	vld [tilespmem:s12+$0x140]  }
0x187: {  	[tilespmem:s12+$0xE0] =	vst v1;
	v1 =	vmul.f32 $1.131370830e+01, v5;
	v5 =	vld [tilespmem:s12+$0x150]  }
0x188: {  	[tilespmem:s12+$0xF0] =	vst v0;
	v0 =	vmul.f32 $1.131370830e+01, v6;
	v6 =	vld [tilespmem:s12+$0x160]  }
0x189: {  	[tilespmem:s12+$0x100] =	vst v1;
	v1 =	vmul.f32 $1.131370830e+01, v3;
	v3 =	vld [tilespmem:s12+$0x170]  }
0x18a: {  	[tilespmem:s12+$0x110] =	vst v0;
	v0 =	vmul.f32 $1.131370830e+01, v4;
	v4 =	vld [tilespmem:s12+$0x180]  }
0x18b: {  	[tilespmem:s12+$0x120] =	vst v1;
	v1 =	vmul.f32 $1.131370830e+01, v2;
	v7 =	vld [tilespmem:s12+$0x190]  }
0x18c: {  	[tilespmem:s12+$0x130] =	vst v0;
	v2 =	vmul.f32 $1.131370830e+01, v5;
	v8 =	vld [tilespmem:s12+$0x1A0]  }
.Ltmp4:
0x18d: {  	[tilespmem:s12+$0x140] =	vst v1;
	v5 =	vmul.f32 $1.131370830e+01, v6;
	v0 =	vld [tilespmem:s12+$0x1B0];
	(pc) =	sbr.rel @p0 .LBB2_10-.Ltmp4, $4  }
0x18e: {  	[tilespmem:s12+$0x150] =	vst v2;
	v3 =	vmul.f32 $1.131370830e+01, v3;
	v1 =	vld [tilespmem:s12+$0x1C0]  }
0x18f: {  	[tilespmem:s12+$0x160] =	vst v5;
	v6 =	vmul.f32 $1.131370830e+01, v4;
	v2 =	vld [tilespmem:s12+$0x1D0]  }
0x190: {  	[tilespmem:s12+$0x170] =	vst v3;
	v5 =	vmul.f32 $1.131370830e+01, v7;
	v3 =	vld [tilespmem:s12+$0x1E0]  }
0x191: {  	s12 =	sadd.s32 $0x200, s12;
	v4 =	vld [tilespmem:s19+$0x0];
	[tilespmem:s19+$0x180] =	vst v6;
	v6 =	vmul.f32 $1.131370830e+01, v8  }
0x192: {  	[tilespmem:s19+$0x190] =	vst v5;
	v0 =	vmul.f32 $1.131370830e+01, v0  }
0x193: {  	[tilespmem:s19+$0x1A0] =	vst v6;
	v1 =	vmul.f32 $1.131370830e+01, v1  }
0x194: {  	[tilespmem:s19+$0x1B0] =	vst v0;
	v61 =	vmul.f32 $1.131370830e+01, v2  }
0x195: {  	[tilespmem:s19+$0x1C0] =	vst v1;
	v62 =	vmul.f32 $1.131370830e+01, v3  }
0x196: {  	v63 =	vmul.f32 $1.131370830e+01, v4;
	[tilespmem:s19+$0x1D0] =	vst v61  }
0x197: {  	[tilespmem:s19+$0x1E0] =	vst v62  }
0x198: {  	[tilespmem:s19+$0x0] =	vst v63  }
0x199: {  	[hbm4b:s9+s3] =	stream.linear.scatter [tilespmem:s22], [sflag:$0xA], $0x3000, $0x38;
	[tilespmem:$0x10200] =	vst v63  }
0x19a: {  	_ =	swait.ge [sflag:s29], $0x3800  }
0x19b: {  	[sflag:s29] =	ssyncset.done $0x0  }
0x19c: {  	[sflag:s29] =	ssyncadd.s32 $0xFFFFC800  }
0x19d: {  	_ =	swait.ge [sflag:s30], $0x3400  }
0x19e: {  	[sflag:s30] =	ssyncset.done $0x0  }
0x19f: {  	[sflag:s30] =	ssyncadd.s32 $0xFFFFCC00  }
0x1a0: {  	_ =	swait.ge [sflag:s31], $0x3400  }
0x1a1: {  	[sflag:s31] =	ssyncset.done $0x0  }
0x1a2: {  	s16 =	sadd.s32 $0x1, s16;
	[sflag:s31] =	ssyncadd.s32 $0xFFFFCC00  }
0x1a3: {  	p0 =	sne.s32 s16, s10;
	_ =	swait.ge [sflag:s0], $0x3000  }
.Ltmp5:
0x1a4: {  	[sflag:s0] =	ssyncset.done $0x0;
	(pc) =	sbr.rel @p0 .LBB2_1-.Ltmp5, $4  }
0x1a5: {  	[sflag:s0] =	ssyncadd.s32 $0xFFFFD000  }
0x1a6: {  	_ =	swait.ge [sflag:s1], $0x3000  }
0x1a7: {  	[sflag:s1] =	ssyncset.done $0x0  }
0x1a8: {  	[sflag:s1] =	ssyncadd.s32 $0xFFFFD000  }
0x1a9: {  	_ =	sfence.sel $0x180000  }
0x1aa: {  	[bflag:$0x0] =	sbarrier.arrive $0xFFFF  }
0x1ab: {  	_ =	strace $0x90000047  }
0x1ac: {  	s0 =	stileid.u32;
	[bflag:$0x2] =	sbarrier.arrive $0xFFFF  }
0x1ad: {  	p0 =	sne.s32 s0, $0x0;
	s0 =	rddreg [dreg:$0x3]  }
0x1ae: {  	s0 =	sadd.s32 @!p0 $0x100000, s0  }
0x1af: {  	[sflag:s0] =	ssyncadd.tile.s32 @!p0 $0x1;
	_ =	shalt  }
.Lfunc_end2:
_tile_overlayer_lowered:
.L_overlay_start_2:
0x1b0: {  	(tag) =	ssettag $0x2  }
0x1b1: {  	s0 =	rddreg [dreg:$0x0];
	s2 =	stileid.u32  }
0x1b2: {  	s1 =	rddreg [dreg:$0x1];
	p0 =	sne.s32 s2, $0x0  }
0x1b3: {  	s3 =	rddreg [dreg:$0x2];
	[bflag:$0x3] =	sbarrier.arrive $0xFFFF;
	s2 =	simm.s32 @!p0 $0x1C0B  }
0x1b4: {  	[timem:s3], [sflag:s2] =	dma.local @!p0 [hbm:s0], s1  }
0x1b5: {  	s0 =	simm.s32 @!p0 $0xB  }
0x1b6: {  	_ =	swait.ge @!p0 [sflag:s0], s1  }
0x1b7: {  	s1 =	ssub.s32 @!p0 $0x0, s1;
	[sflag:s0] =	ssyncset.done @!p0 $0x0  }
0x1b8: {  	[sflag:s0] =	ssyncadd.s32 @!p0 s1  }
0x1b9: {  	[bflag:$0x3] =	sbarrier.arrive $0xFFFF  }
0x1ba: {  	_ =	shalt  }

</sc_bundles>
